<compile_context>
chip_gen: v7x
topology: tpu7x:2x2x1
jax: 0.10.2.dev20260603
libtpu: 0.0.44.dev20260713+nightly
codegen_flags: <defaults>
</compile_context>

<pallas_src>
import functools

import jax
import jax.numpy as jnp
from jax import lax
from jax.experimental import pallas as pl
from jax.experimental.pallas import tpu as pltpu
from jax.experimental.pallas import tpu_sc as plsc

N = 10000
D = 256
H = 128
E = 160000
EPS = 1e-5

NS = 16
CH = 128
NCHUNK = 80
EPT = NCHUNK * CH
E_PAD = EPT * NS
PCH = 16
NPH = NCHUNK // PCH
ROWS_PT = 632
N_PAD = NS * ROWS_PT

_mesh = plsc.VectorSubcoreMesh(core_axis_name="c", subcore_axis_name="s")


@functools.partial(
    pl.kernel,
    out_type=[jax.ShapeDtypeStruct((N_PAD, H), jnp.float32),
              jax.ShapeDtypeStruct((N_PAD, H), jnp.float32)],
    mesh=_mesh,
    scratch_types=[
        pltpu.VMEM((NCHUNK, CH), jnp.int32),
        pltpu.VMEM((CH, H), jnp.float32),
        pltpu.VMEM_SHARED((N_PAD, H), jnp.float32),
        pltpu.SemaphoreType.DMA,
    ],
)
def _sc_degree(di_hbm, ones_hbm, zeros_hbm, deg_a, deg_b, dbuf, obuf, acc,
               dsem):
    c = lax.axis_index("c")
    s = lax.axis_index("s")

    pltpu.async_copy(zeros_hbm, acc.at[pl.ds(s * ROWS_PT, ROWS_PT)],
                     dsem).wait()
    pltpu.async_copy(ones_hbm, obuf, dsem).wait()
    pltpu.async_copy(di_hbm.at[s], dbuf, dsem).wait()

    plsc.subcore_barrier()

    def chunk(j, _):
        pltpu.sync_copy(obuf, acc.at[dbuf.at[j]], add=True)
        return 0

    @pl.when(c == 0)
    def _():
        lax.fori_loop(0, NCHUNK // 2, chunk, 0)

    @pl.when(c == 1)
    def _():
        lax.fori_loop(NCHUNK // 2, NCHUNK, chunk, 0)

    plsc.subcore_barrier()

    @pl.when(c == 0)
    def _():
        pltpu.sync_copy(acc.at[pl.ds(s * ROWS_PT, ROWS_PT)],
                        deg_a.at[pl.ds(s * ROWS_PT, ROWS_PT)])

    @pl.when(c == 1)
    def _():
        pltpu.sync_copy(acc.at[pl.ds(s * ROWS_PT, ROWS_PT)],
                        deg_b.at[pl.ds(s * ROWS_PT, ROWS_PT)])


@functools.partial(
    pl.kernel,
    out_type=[jax.ShapeDtypeStruct((N_PAD, H), jnp.float32),
              jax.ShapeDtypeStruct((N_PAD, H), jnp.float32)],
    mesh=_mesh,
    scratch_types=[
        pltpu.VMEM((NCHUNK, CH), jnp.int32),
        pltpu.VMEM((NCHUNK, CH), jnp.int32),
        pltpu.VMEM((CH, H), jnp.float32),
        pltpu.VMEM_SHARED((N_PAD, H), jnp.float32),
        pltpu.SemaphoreType.DMA,
    ],
)
def _sc_aggregate(ha, hb, si_hbm, di_hbm, out_a, out_b, sbuf, dbuf, rows0,
                  acc, sem0):
    c = lax.axis_index("c")
    s = lax.axis_index("s")

    def stage(h_ref):
        pltpu.async_copy(h_ref.at[pl.ds(s * ROWS_PT, ROWS_PT)],
                         acc.at[pl.ds(s * ROWS_PT, ROWS_PT)], sem0).wait()
        pltpu.async_copy(si_hbm.at[s], sbuf, sem0).wait()
        pltpu.async_copy(di_hbm.at[s], dbuf, sem0).wait()

    def edge_loop(h_ref):
        def chunk(j, _):
            pltpu.async_copy(h_ref.at[sbuf.at[j]], rows0, sem0).wait()
            pltpu.sync_copy(rows0, acc.at[dbuf.at[j]], add=True)
            return 0

        lax.fori_loop(0, NCHUNK, chunk, 0)

    def copy_out(out_ref):
        pltpu.sync_copy(acc.at[pl.ds(s * ROWS_PT, ROWS_PT)],
                        out_ref.at[pl.ds(s * ROWS_PT, ROWS_PT)])

    @pl.when(c == 0)
    def _():
        stage(ha)

    @pl.when(c == 1)
    def _():
        stage(hb)

    plsc.subcore_barrier()

    @pl.when(c == 0)
    def _():
        edge_loop(ha)

    @pl.when(c == 1)
    def _():
        edge_loop(hb)

    plsc.subcore_barrier()

    @pl.when(c == 0)
    def _():
        copy_out(out_a)

    @pl.when(c == 1)
    def _():
        copy_out(out_b)


_RP = ROWS_PT
_R = 1000


def _tc_proj1_body(x_ref, w_ref, dega_ref, degb_ref, ha_ref, hb_ref,
                   dinv_ref):
    dinv = lax.rsqrt(dega_ref[:, 0:1] + degb_ref[:, 0:1] + 1.0)
    h = jnp.dot(x_ref[...], w_ref[...],
                preferred_element_type=jnp.float32) * dinv
    ha_ref[...] = h[:, :H]
    hb_ref[...] = h[:, H:]
    dinv_ref[...] = jnp.broadcast_to(dinv, (_RP, 8))


_tc_proj1 = pl.pallas_call(
    _tc_proj1_body,
    grid=(N_PAD // _RP,),
    in_specs=[
        pl.BlockSpec((_RP, D), lambda i: (i, 0)),
        pl.BlockSpec((D, D), lambda i: (0, 0)),
        pl.BlockSpec((_RP, H), lambda i: (i, 0)),
        pl.BlockSpec((_RP, H), lambda i: (i, 0)),
    ],
    out_specs=[
        pl.BlockSpec((_RP, H), lambda i: (i, 0)),
        pl.BlockSpec((_RP, H), lambda i: (i, 0)),
        pl.BlockSpec((_RP, 8), lambda i: (i, 0)),
    ],
    out_shape=[
        jax.ShapeDtypeStruct((N_PAD, H), jnp.float32),
        jax.ShapeDtypeStruct((N_PAD, H), jnp.float32),
        jax.ShapeDtypeStruct((N, 8), jnp.float32),
    ],
)


def _tc_norm_proj2_body(aa_ref, ab_ref, dinv_ref, b1_ref, gam_ref, bet_ref,
                        alp_ref, w2_ref, h2a_ref, h2b_ref, ssum, ssq):
    p = pl.program_id(0)
    i = pl.program_id(1)
    t = (jnp.concatenate([aa_ref[...], ab_ref[...]], axis=1)
         * dinv_ref[:, 0:1] + b1_ref[...])

    @pl.when(p == 0)
    def _():
        cs = jnp.sum(t, axis=0, keepdims=True)
        cq = jnp.sum(t * t, axis=0, keepdims=True)

        @pl.when(i == 0)
        def _():
            ssum[...] = cs
            ssq[...] = cq

        @pl.when(i > 0)
        def _():
            ssum[...] += cs
            ssq[...] += cq

    @pl.when(p == 1)
    def _():
        mu = ssum[...] * (1.0 / N)
        msq = ssq[...] * (1.0 / N)
        a = alp_ref[...]
        var = msq - (2.0 * a - a * a) * mu * mu
        g = (t - a * mu) * lax.rsqrt(var + EPS) * gam_ref[...] + bet_ref[...]
        g = jnp.maximum(g, 0.0)
        h2 = jnp.dot(g, w2_ref[...],
                     preferred_element_type=jnp.float32) * dinv_ref[:, 0:1]
        h2a_ref[...] = h2[:, :H]
        h2b_ref[...] = h2[:, H:]


_tc_norm_proj2 = pl.pallas_call(
    _tc_norm_proj2_body,
    grid=(2, N // _R),
    in_specs=[
        pl.BlockSpec((_R, H), lambda p, i: (i, 0)),
        pl.BlockSpec((_R, H), lambda p, i: (i, 0)),
        pl.BlockSpec((_R, 8), lambda p, i: (i, 0)),
        pl.BlockSpec((1, D), lambda p, i: (0, 0)),
        pl.BlockSpec((1, D), lambda p, i: (0, 0)),
        pl.BlockSpec((1, D), lambda p, i: (0, 0)),
        pl.BlockSpec((1, D), lambda p, i: (0, 0)),
        pl.BlockSpec((D, D), lambda p, i: (0, 0)),
    ],
    out_specs=[
        pl.BlockSpec((_R, H), lambda p, i: (i, 0)),
        pl.BlockSpec((_R, H), lambda p, i: (i, 0)),
    ],
    out_shape=[
        jax.ShapeDtypeStruct((N_PAD, H), jnp.float32),
        jax.ShapeDtypeStruct((N_PAD, H), jnp.float32),
    ],
    scratch_shapes=[
        pltpu.VMEM((1, D), jnp.float32),
        pltpu.VMEM((1, D), jnp.float32),
    ],
)


def _tc_final_body(aa_ref, ab_ref, dinv_ref, b2_ref, out_ref):
    out_ref[...] = (jnp.concatenate([aa_ref[...], ab_ref[...]], axis=1)
                    * dinv_ref[:, 0:1] + b2_ref[...])


_tc_final = pl.pallas_call(
    _tc_final_body,
    grid=(N // _R,),
    in_specs=[
        pl.BlockSpec((_R, H), lambda i: (i, 0)),
        pl.BlockSpec((_R, H), lambda i: (i, 0)),
        pl.BlockSpec((_R, 8), lambda i: (i, 0)),
        pl.BlockSpec((1, D), lambda i: (0, 0)),
    ],
    out_specs=pl.BlockSpec((_R, D), lambda i: (i, 0)),
    out_shape=jax.ShapeDtypeStruct((N, D), jnp.float32),
)


def kernel(x, edge_index, W1, b1, gamma, beta, alpha, W2, b2):
    src = edge_index[0]
    dst = edge_index[1]
    pad = E_PAD - E
    src_p = jnp.concatenate(
        [src, jnp.zeros((pad,), jnp.int32)]).reshape(NS, NCHUNK, CH)
    dst_p = jnp.concatenate(
        [dst, jnp.full((pad,), N, jnp.int32)]).reshape(NS, NCHUNK, CH)
    dst_p3 = dst_p

    b1r = b1.reshape(1, D)
    b2r = b2.reshape(1, D)
    gammar = gamma.reshape(1, D)
    betar = beta.reshape(1, D)
    alphar = alpha.reshape(1, D)

    deg_a, deg_b = _sc_degree(dst_p3, jnp.ones((CH, H), jnp.float32),
                              jnp.zeros((ROWS_PT, H), jnp.float32))
    ha, hb, dinv = _tc_proj1(x, W1, deg_a, deg_b)
    agg1a, agg1b = _sc_aggregate(ha, hb, src_p, dst_p)
    h2a, h2b = _tc_norm_proj2(agg1a, agg1b, dinv, b1r, gammar, betar, alphar,
                              W2)
    agg2a, agg2b = _sc_aggregate(h2a, h2b, src_p, dst_p)
    return _tc_final(agg2a, agg2b, dinv, b2r)

# --- scband reference (transcript-rebuilt; emitter-appended) ---
"""Pipeline reference for scband-gcnex-23751169147432 (READ-ONLY COPY).

The authoritative reference and input builder live on the scoring server;
editing this copy changes nothing except your own understanding.
"""

import jax, jax.numpy as jnp
import numpy as np

N = 10000
E = 160000
D_IN = 256
D_OUT = 256
EPS = 1e-5


def setup_inputs(seed: int = 0) -> dict:
    key = jax.random.key(seed)
    ks = jax.random.split(key, 10)
    x = jax.random.normal(ks[0], (N, D_IN), dtype=jnp.float32)
    edge_index = jax.random.randint(ks[1], (2, E), 0, N, dtype=jnp.int32)
    # GCNConv weights (glorot-style init) and biases
    s1 = float(np.sqrt(6.0 / (D_IN + D_IN)))
    W1 = jax.random.uniform(ks[2], (D_IN, D_IN), dtype=jnp.float32, minval=-s1, maxval=s1)
    b1 = jnp.zeros((D_IN,), dtype=jnp.float32)
    s2 = float(np.sqrt(6.0 / (D_IN + D_OUT)))
    W2 = jax.random.uniform(ks[3], (D_IN, D_OUT), dtype=jnp.float32, minval=-s2, maxval=s2)
    b2 = jnp.zeros((D_OUT,), dtype=jnp.float32)
    # GraphNorm params: weight(gamma)=1, bias(beta)=0, mean_scale(alpha)=1
    gamma = jnp.ones((D_IN,), dtype=jnp.float32)
    beta = jnp.zeros((D_IN,), dtype=jnp.float32)
    alpha = jnp.ones((D_IN,), dtype=jnp.float32)
    return {"x": x, "edge_index": edge_index, "W1": W1, "b1": b1,
            "gamma": gamma, "beta": beta, "alpha": alpha, "W2": W2, "b2": b2}


def _gcn_conv(x, edge_index, W, b):
    # PyG GCNConv: add self-loops, symmetric normalization D^-1/2 (A+I) D^-1/2 X W + b
    loop = jnp.arange(N, dtype=edge_index.dtype)
    src = jnp.concatenate([edge_index[0], loop])
    dst = jnp.concatenate([edge_index[1], loop])
    h = x @ W
    deg = jnp.zeros((N,), dtype=x.dtype).at[dst].add(1.0)
    dinv = jnp.where(deg > 0, 1.0 / jnp.sqrt(deg), 0.0)
    norm = dinv[src] * dinv[dst]
    msg = h[src] * norm[:, None]
    out = jnp.zeros((N, h.shape[1]), dtype=x.dtype).at[dst].add(msg)
    return out + b


def _graph_norm(x, gamma, beta, alpha):
    # PyG GraphNorm, single graph: (x - alpha*mean) / sqrt(var + eps) * gamma + beta
    mean = jnp.mean(x, axis=0)
    out = x - alpha * mean
    var = jnp.mean(out * out, axis=0)
    return out / jnp.sqrt(var + EPS) * gamma + beta


def reference(x, edge_index, W1, b1, gamma, beta, alpha, W2, b2):
    h = _gcn_conv(x, edge_index, W1, b1)
    h = _graph_norm(h, gamma, beta, alpha)
    h = jax.nn.relu(h)
    # F.dropout with training=False (module in eval) is identity
    out = _gcn_conv(h, edge_index, W2, b2)
    return out

if __name__ == "__main__":
    import jax
    _d = setup_inputs()
    print(jax.jit(kernel)(*tuple(_d.values())))

</pallas_src>

<mosaic_0001>
#map = affine_map<(d0, d1) -> (0, 0, 0)>
#map1 = affine_map<(d0, d1) -> (0, 0)>
module attributes {stable_mosaic.version = 14 : i64} {
  func.func @_sc_degree(%arg0: i32, %arg1: i32, %arg2: memref<16x80x128xi32, #tpu.memory_space<hbm>>, %arg3: memref<128x128xf32, #tpu.memory_space<hbm>>, %arg4: memref<632x128xf32, #tpu.memory_space<hbm>>, %arg5: memref<10112x128xf32, #tpu.memory_space<hbm>>, %arg6: memref<10112x128xf32, #tpu.memory_space<hbm>>, %arg7: memref<80x128xi32, #tpu.memory_space<vmem>>, %arg8: memref<128x128xf32, #tpu.memory_space<vmem>>, %arg9: memref<10112x128xf32, #tpu.memory_space<vmem_shared>>, %arg10: memref<!tpu.dma_semaphore, #tpu.memory_space<semaphore_mem>>) attributes {dimension_semantics = [#tpu.dimension_semantics<core_parallel>, #tpu.dimension_semantics<subcore_parallel>], iteration_bounds = array<i64: 2, 16>, scalar_prefetch = 0 : i64, scratch_operands = 4 : i64, tpu.core_type = #tpu.core_type<sc_vector_subcore>, window_params = [{transform_indices = #map}, {transform_indices = #map1}, {transform_indices = #map1}, {transform_indices = #map1}, {transform_indices = #map1}]} {
    %mul3A = arith.constant 632 : i32
    %mul3A_0 = arith.muli %arg1, %mul3A : i32
    %dma_start3A = arith.constant 0 : i32
    %dma_start3A_1 = tpu.memref_slice %arg9[%mul3A_0, %dma_start3A] : memref<10112x128xf32, #tpu.memory_space<vmem_shared>> -> memref<632x128xf32, #tpu.memory_space<vmem_shared>>
    tpu.enqueue_dma source(%arg4 : memref<632x128xf32, #tpu.memory_space<hbm>>) target(%dma_start3A_1 : memref<632x128xf32, #tpu.memory_space<vmem_shared>>) target_semaphore(%arg10 : memref<!tpu.dma_semaphore, #tpu.memory_space<semaphore_mem>>)
    %dma_wait3A = arith.constant 0 : i32
    %dma_wait3A_2 = tpu.memref_slice %arg9[%mul3A_0, %dma_wait3A] : memref<10112x128xf32, #tpu.memory_space<vmem_shared>> -> memref<632x128xf32, #tpu.memory_space<vmem_shared>>
    tpu.wait_dma2 semaphore(%arg10 : memref<!tpu.dma_semaphore, #tpu.memory_space<semaphore_mem>>) src(%arg4 : memref<632x128xf32, #tpu.memory_space<hbm>>) dst(%dma_wait3A_2 : memref<632x128xf32, #tpu.memory_space<vmem_shared>>)
    tpu.enqueue_dma source(%arg3 : memref<128x128xf32, #tpu.memory_space<hbm>>) target(%arg8 : memref<128x128xf32, #tpu.memory_space<vmem>>) target_semaphore(%arg10 : memref<!tpu.dma_semaphore, #tpu.memory_space<semaphore_mem>>)
    tpu.wait_dma2 semaphore(%arg10 : memref<!tpu.dma_semaphore, #tpu.memory_space<semaphore_mem>>) src(%arg3 : memref<128x128xf32, #tpu.memory_space<hbm>>) dst(%arg8 : memref<128x128xf32, #tpu.memory_space<vmem>>)
    %dma_start3A_3 = arith.constant 0 : i32
    %dma_start3A_4 = arith.constant 0 : i32
    %dma_start3A_5 = tpu.memref_slice %arg2[%arg1, %dma_start3A_3, %dma_start3A_4] : memref<16x80x128xi32, #tpu.memory_space<hbm>> -> memref<1x80x128xi32, #tpu.memory_space<hbm>>
    %dma_start3A_6 = tpu.memref_squeeze %dma_start3A_5 : memref<1x80x128xi32, #tpu.memory_space<hbm>> -> memref<80x128xi32, #tpu.memory_space<hbm>>
    %dma_start3A_7 = arith.constant 0 : i32
    %dma_start3A_8 = arith.constant 0 : i32
    %dma_start3A_9 = tpu.memref_slice %arg2[%arg1, %dma_start3A_7, %dma_start3A_8] : memref<16x80x128xi32, #tpu.memory_space<hbm>> -> memref<1x80x128xi32, #tpu.memory_space<hbm>>
    %dma_start3A_10 = tpu.memref_squeeze %dma_start3A_9 : memref<1x80x128xi32, #tpu.memory_space<hbm>> -> memref<80x128xi32, #tpu.memory_space<hbm>>
    tpu.enqueue_dma source(%dma_start3A_10 : memref<80x128xi32, #tpu.memory_space<hbm>>) target(%arg7 : memref<80x128xi32, #tpu.memory_space<vmem>>) target_semaphore(%arg10 : memref<!tpu.dma_semaphore, #tpu.memory_space<semaphore_mem>>)
    %dma_wait3A_11 = arith.constant 0 : i32
    %dma_wait3A_12 = arith.constant 0 : i32
    %dma_wait3A_13 = tpu.memref_slice %arg2[%arg1, %dma_wait3A_11, %dma_wait3A_12] : memref<16x80x128xi32, #tpu.memory_space<hbm>> -> memref<1x80x128xi32, #tpu.memory_space<hbm>>
    %dma_wait3A_14 = tpu.memref_squeeze %dma_wait3A_13 : memref<1x80x128xi32, #tpu.memory_space<hbm>> -> memref<80x128xi32, #tpu.memory_space<hbm>>
    %dma_wait3A_15 = arith.constant 0 : i32
    %dma_wait3A_16 = arith.constant 0 : i32
    %dma_wait3A_17 = tpu.memref_slice %arg2[%arg1, %dma_wait3A_15, %dma_wait3A_16] : memref<16x80x128xi32, #tpu.memory_space<hbm>> -> memref<1x80x128xi32, #tpu.memory_space<hbm>>
    %dma_wait3A_18 = tpu.memref_squeeze %dma_wait3A_17 : memref<1x80x128xi32, #tpu.memory_space<hbm>> -> memref<80x128xi32, #tpu.memory_space<hbm>>
    tpu.wait_dma2 semaphore(%arg10 : memref<!tpu.dma_semaphore, #tpu.memory_space<semaphore_mem>>) src(%dma_wait3A_18 : memref<80x128xi32, #tpu.memory_space<hbm>>) dst(%arg7 : memref<80x128xi32, #tpu.memory_space<vmem>>)
    %barrier3A = arith.constant 0 : index
    tpu.barrier barrier_id(%barrier3A)
    %eq3A = arith.constant 0 : i32
    %eq3A_19 = arith.cmpi eq, %arg0, %eq3A : i32
    %convert_element_type3A = arith.extui %eq3A_19 : i1 to i32
    %cond3A = arith.constant 0 : i32
    %cond3A_20 = arith.cmpi ne, %convert_element_type3A, %cond3A : i32
    scf.if %cond3A_20 {
      %scan3A = arith.constant 0 : i32
      %scan3A_37 = arith.constant 0 : i32
      %scan3A_38 = arith.constant 40 : i32
      %scan3A_39 = arith.addi %scan3A_37, %scan3A_38 : i32
      %scan3A_40 = arith.constant 1 : i32
      %scan3A_41 = scf.for %scan3A_43 = %scan3A_37 to %scan3A_39 step %scan3A_40 iter_args(%scan3A_44 = %scan3A) -> (i32)  : i32 {
        "tpu.region"() ({
          %run_scoped3A = tpu.sem_alloc : memref<!tpu.dma_semaphore, #tpu.memory_space<semaphore_mem>>
          %dma_start3A_46 = arith.constant 0 : i32
          %dma_start3A_47 = tpu.memref_slice %arg7[%scan3A_43, %dma_start3A_46] : memref<80x128xi32, #tpu.memory_space<vmem>> -> memref<1x128xi32, #tpu.memory_space<vmem>>
          %dma_start3A_48 = tpu.memref_squeeze %dma_start3A_47 : memref<1x128xi32, #tpu.memory_space<vmem>> -> memref<128xi32, #tpu.memory_space<vmem>>
          %dma_start3A_49 = arith.constant 0 : i32
          %dma_start3A_50 = arith.constant 0 : i32
          %dma_start3A_51 = tpu.memref_slice %arg9[%dma_start3A_49, %dma_start3A_50] : memref<10112x128xf32, #tpu.memory_space<vmem_shared>> -> memref<10112x128xf32, #tpu.memory_space<vmem_shared>>
          tpu.enqueue_indirect_dma source(%arg8 : memref<128x128xf32, #tpu.memory_space<vmem>>) target(%dma_start3A_51 : memref<10112x128xf32, #tpu.memory_space<vmem_shared>>) offsets(%dma_start3A_48 : memref<128xi32, #tpu.memory_space<vmem>>) semaphore(%run_scoped3A : memref<!tpu.dma_semaphore, #tpu.memory_space<semaphore_mem>>) {add = true}
          %dma_wait3A_52 = arith.constant 0 : i32
          %dma_wait3A_53 = tpu.memref_slice %arg7[%scan3A_43, %dma_wait3A_52] : memref<80x128xi32, #tpu.memory_space<vmem>> -> memref<1x128xi32, #tpu.memory_space<vmem>>
          %dma_wait3A_54 = tpu.memref_squeeze %dma_wait3A_53 : memref<1x128xi32, #tpu.memory_space<vmem>> -> memref<128xi32, #tpu.memory_space<vmem>>
          %dma_wait3A_55 = arith.constant 0 : i32
          %dma_wait3A_56 = arith.constant 0 : i32
          %dma_wait3A_57 = tpu.memref_slice %arg9[%dma_wait3A_55, %dma_wait3A_56] : memref<10112x128xf32, #tpu.memory_space<vmem_shared>> -> memref<10112x128xf32, #tpu.memory_space<vmem_shared>>
          tpu.wait_indirect_dma semaphore(%run_scoped3A : memref<!tpu.dma_semaphore, #tpu.memory_space<semaphore_mem>>) src(%arg8 : memref<128x128xf32, #tpu.memory_space<vmem>>) dst(%dma_wait3A_57 : memref<10112x128xf32, #tpu.memory_space<vmem_shared>>)
          tpu.yield
        }) : () -> ()
        %scan3A_45 = arith.constant 0 : i32
        scf.yield %scan3A_45 : i32
      }
      %scan3A_42 = arith.constant 40 : i32
    } else {
    }
    %eq3A_21 = arith.constant 1 : i32
    %eq3A_22 = arith.cmpi eq, %arg0, %eq3A_21 : i32
    %convert_element_type3A_23 = arith.extui %eq3A_22 : i1 to i32
    %cond3A_24 = arith.constant 0 : i32
    %cond3A_25 = arith.cmpi ne, %convert_element_type3A_23, %cond3A_24 : i32
    scf.if %cond3A_25 {
      %scan3A = arith.constant 0 : i32
      %scan3A_37 = arith.constant 40 : i32
      %scan3A_38 = arith.constant 40 : i32
      %scan3A_39 = arith.addi %scan3A_37, %scan3A_38 : i32
      %scan3A_40 = arith.constant 1 : i32
      %scan3A_41 = scf.for %scan3A_43 = %scan3A_37 to %scan3A_39 step %scan3A_40 iter_args(%scan3A_44 = %scan3A) -> (i32)  : i32 {
        "tpu.region"() ({
          %run_scoped3A = tpu.sem_alloc : memref<!tpu.dma_semaphore, #tpu.memory_space<semaphore_mem>>
          %dma_start3A_46 = arith.constant 0 : i32
          %dma_start3A_47 = tpu.memref_slice %arg7[%scan3A_43, %dma_start3A_46] : memref<80x128xi32, #tpu.memory_space<vmem>> -> memref<1x128xi32, #tpu.memory_space<vmem>>
          %dma_start3A_48 = tpu.memref_squeeze %dma_start3A_47 : memref<1x128xi32, #tpu.memory_space<vmem>> -> memref<128xi32, #tpu.memory_space<vmem>>
          %dma_start3A_49 = arith.constant 0 : i32
          %dma_start3A_50 = arith.constant 0 : i32
          %dma_start3A_51 = tpu.memref_slice %arg9[%dma_start3A_49, %dma_start3A_50] : memref<10112x128xf32, #tpu.memory_space<vmem_shared>> -> memref<10112x128xf32, #tpu.memory_space<vmem_shared>>
          tpu.enqueue_indirect_dma source(%arg8 : memref<128x128xf32, #tpu.memory_space<vmem>>) target(%dma_start3A_51 : memref<10112x128xf32, #tpu.memory_space<vmem_shared>>) offsets(%dma_start3A_48 : memref<128xi32, #tpu.memory_space<vmem>>) semaphore(%run_scoped3A : memref<!tpu.dma_semaphore, #tpu.memory_space<semaphore_mem>>) {add = true}
          %dma_wait3A_52 = arith.constant 0 : i32
          %dma_wait3A_53 = tpu.memref_slice %arg7[%scan3A_43, %dma_wait3A_52] : memref<80x128xi32, #tpu.memory_space<vmem>> -> memref<1x128xi32, #tpu.memory_space<vmem>>
          %dma_wait3A_54 = tpu.memref_squeeze %dma_wait3A_53 : memref<1x128xi32, #tpu.memory_space<vmem>> -> memref<128xi32, #tpu.memory_space<vmem>>
          %dma_wait3A_55 = arith.constant 0 : i32
          %dma_wait3A_56 = arith.constant 0 : i32
          %dma_wait3A_57 = tpu.memref_slice %arg9[%dma_wait3A_55, %dma_wait3A_56] : memref<10112x128xf32, #tpu.memory_space<vmem_shared>> -> memref<10112x128xf32, #tpu.memory_space<vmem_shared>>
          tpu.wait_indirect_dma semaphore(%run_scoped3A : memref<!tpu.dma_semaphore, #tpu.memory_space<semaphore_mem>>) src(%arg8 : memref<128x128xf32, #tpu.memory_space<vmem>>) dst(%dma_wait3A_57 : memref<10112x128xf32, #tpu.memory_space<vmem_shared>>)
          tpu.yield
        }) : () -> ()
        %scan3A_45 = arith.constant 0 : i32
        scf.yield %scan3A_45 : i32
      }
      %scan3A_42 = arith.constant 40 : i32
    } else {
    }
    %barrier3A_26 = arith.constant 0 : index
    tpu.barrier barrier_id(%barrier3A_26)
    %eq3A_27 = arith.constant 0 : i32
    %eq3A_28 = arith.cmpi eq, %arg0, %eq3A_27 : i32
    %convert_element_type3A_29 = arith.extui %eq3A_28 : i1 to i32
    %cond3A_30 = arith.constant 0 : i32
    %cond3A_31 = arith.cmpi ne, %convert_element_type3A_29, %cond3A_30 : i32
    scf.if %cond3A_31 {
      %mul3A_37 = arith.constant 632 : i32
      %mul3A_38 = arith.muli %arg1, %mul3A_37 : i32
      %mul3A_39 = arith.constant 632 : i32
      %mul3A_40 = arith.muli %arg1, %mul3A_39 : i32
      "tpu.region"() ({
        %run_scoped3A = tpu.sem_alloc : memref<!tpu.dma_semaphore, #tpu.memory_space<semaphore_mem>>
        %dma_start3A_41 = arith.constant 0 : i32
        %dma_start3A_42 = tpu.memref_slice %arg5[%mul3A_40, %dma_start3A_41] : memref<10112x128xf32, #tpu.memory_space<hbm>> -> memref<632x128xf32, #tpu.memory_space<hbm>>
        %dma_start3A_43 = arith.constant 0 : i32
        %dma_start3A_44 = tpu.memref_slice %arg9[%mul3A_38, %dma_start3A_43] : memref<10112x128xf32, #tpu.memory_space<vmem_shared>> -> memref<632x128xf32, #tpu.memory_space<vmem_shared>>
        tpu.enqueue_dma source(%dma_start3A_44 : memref<632x128xf32, #tpu.memory_space<vmem_shared>>) target(%dma_start3A_42 : memref<632x128xf32, #tpu.memory_space<hbm>>) target_semaphore(%run_scoped3A : memref<!tpu.dma_semaphore, #tpu.memory_space<semaphore_mem>>)
        %dma_wait3A_45 = arith.constant 0 : i32
        %dma_wait3A_46 = tpu.memref_slice %arg5[%mul3A_40, %dma_wait3A_45] : memref<10112x128xf32, #tpu.memory_space<hbm>> -> memref<632x128xf32, #tpu.memory_space<hbm>>
        %dma_wait3A_47 = arith.constant 0 : i32
        %dma_wait3A_48 = tpu.memref_slice %arg9[%mul3A_38, %dma_wait3A_47] : memref<10112x128xf32, #tpu.memory_space<vmem_shared>> -> memref<632x128xf32, #tpu.memory_space<vmem_shared>>
        tpu.wait_dma2 semaphore(%run_scoped3A : memref<!tpu.dma_semaphore, #tpu.memory_space<semaphore_mem>>) src(%dma_wait3A_48 : memref<632x128xf32, #tpu.memory_space<vmem_shared>>) dst(%dma_wait3A_46 : memref<632x128xf32, #tpu.memory_space<hbm>>)
        tpu.yield
      }) : () -> ()
    } else {
    }
    %eq3A_32 = arith.constant 1 : i32
    %eq3A_33 = arith.cmpi eq, %arg0, %eq3A_32 : i32
    %convert_element_type3A_34 = arith.extui %eq3A_33 : i1 to i32
    %cond3A_35 = arith.constant 0 : i32
    %cond3A_36 = arith.cmpi ne, %convert_element_type3A_34, %cond3A_35 : i32
    scf.if %cond3A_36 {
      %mul3A_37 = arith.constant 632 : i32
      %mul3A_38 = arith.muli %arg1, %mul3A_37 : i32
      %mul3A_39 = arith.constant 632 : i32
      %mul3A_40 = arith.muli %arg1, %mul3A_39 : i32
      "tpu.region"() ({
        %run_scoped3A = tpu.sem_alloc : memref<!tpu.dma_semaphore, #tpu.memory_space<semaphore_mem>>
        %dma_start3A_41 = arith.constant 0 : i32
        %dma_start3A_42 = tpu.memref_slice %arg6[%mul3A_40, %dma_start3A_41] : memref<10112x128xf32, #tpu.memory_space<hbm>> -> memref<632x128xf32, #tpu.memory_space<hbm>>
        %dma_start3A_43 = arith.constant 0 : i32
        %dma_start3A_44 = tpu.memref_slice %arg9[%mul3A_38, %dma_start3A_43] : memref<10112x128xf32, #tpu.memory_space<vmem_shared>> -> memref<632x128xf32, #tpu.memory_space<vmem_shared>>
        tpu.enqueue_dma source(%dma_start3A_44 : memref<632x128xf32, #tpu.memory_space<vmem_shared>>) target(%dma_start3A_42 : memref<632x128xf32, #tpu.memory_space<hbm>>) target_semaphore(%run_scoped3A : memref<!tpu.dma_semaphore, #tpu.memory_space<semaphore_mem>>)
        %dma_wait3A_45 = arith.constant 0 : i32
        %dma_wait3A_46 = tpu.memref_slice %arg6[%mul3A_40, %dma_wait3A_45] : memref<10112x128xf32, #tpu.memory_space<hbm>> -> memref<632x128xf32, #tpu.memory_space<hbm>>
        %dma_wait3A_47 = arith.constant 0 : i32
        %dma_wait3A_48 = tpu.memref_slice %arg9[%mul3A_38, %dma_wait3A_47] : memref<10112x128xf32, #tpu.memory_space<vmem_shared>> -> memref<632x128xf32, #tpu.memory_space<vmem_shared>>
        tpu.wait_dma2 semaphore(%run_scoped3A : memref<!tpu.dma_semaphore, #tpu.memory_space<semaphore_mem>>) src(%dma_wait3A_48 : memref<632x128xf32, #tpu.memory_space<vmem_shared>>) dst(%dma_wait3A_46 : memref<632x128xf32, #tpu.memory_space<hbm>>)
        tpu.yield
      }) : () -> ()
    } else {
    }
    return
  }
}

#map = affine_map<(d0, d1) -> (0, 0)>
#map1 = affine_map<(d0, d1) -> (0, 0, 0)>
module attributes {stable_mosaic.version = 14 : i64} {
  func.func @_sc_aggregate(%arg0: i32, %arg1: i32, %arg2: memref<10112x128xf32, #tpu.memory_space<hbm>>, %arg3: memref<10112x128xf32, #tpu.memory_space<hbm>>, %arg4: memref<16x80x128xi32, #tpu.memory_space<hbm>>, %arg5: memref<16x80x128xi32, #tpu.memory_space<hbm>>, %arg6: memref<10112x128xf32, #tpu.memory_space<hbm>>, %arg7: memref<10112x128xf32, #tpu.memory_space<hbm>>, %arg8: memref<80x128xi32, #tpu.memory_space<vmem>>, %arg9: memref<80x128xi32, #tpu.memory_space<vmem>>, %arg10: memref<128x128xf32, #tpu.memory_space<vmem>>, %arg11: memref<10112x128xf32, #tpu.memory_space<vmem_shared>>, %arg12: memref<!tpu.dma_semaphore, #tpu.memory_space<semaphore_mem>>) attributes {dimension_semantics = [#tpu.dimension_semantics<core_parallel>, #tpu.dimension_semantics<subcore_parallel>], iteration_bounds = array<i64: 2, 16>, scalar_prefetch = 0 : i64, scratch_operands = 5 : i64, tpu.core_type = #tpu.core_type<sc_vector_subcore>, window_params = [{transform_indices = #map}, {transform_indices = #map}, {transform_indices = #map1}, {transform_indices = #map1}, {transform_indices = #map}, {transform_indices = #map}]} {
    %eq3A = arith.constant 0 : i32
    %eq3A_0 = arith.cmpi eq, %arg0, %eq3A : i32
    %convert_element_type3A = arith.extui %eq3A_0 : i1 to i32
    %cond3A = arith.constant 0 : i32
    %cond3A_1 = arith.cmpi ne, %convert_element_type3A, %cond3A : i32
    scf.if %cond3A_1 {
      %mul3A = arith.constant 632 : i32
      %mul3A_28 = arith.muli %arg1, %mul3A : i32
      %mul3A_29 = arith.constant 632 : i32
      %mul3A_30 = arith.muli %arg1, %mul3A_29 : i32
      %dma_start3A = arith.constant 0 : i32
      %dma_start3A_31 = tpu.memref_slice %arg11[%mul3A_30, %dma_start3A] : memref<10112x128xf32, #tpu.memory_space<vmem_shared>> -> memref<632x128xf32, #tpu.memory_space<vmem_shared>>
      %dma_start3A_32 = arith.constant 0 : i32
      %dma_start3A_33 = tpu.memref_slice %arg2[%mul3A_28, %dma_start3A_32] : memref<10112x128xf32, #tpu.memory_space<hbm>> -> memref<632x128xf32, #tpu.memory_space<hbm>>
      tpu.enqueue_dma source(%dma_start3A_33 : memref<632x128xf32, #tpu.memory_space<hbm>>) target(%dma_start3A_31 : memref<632x128xf32, #tpu.memory_space<vmem_shared>>) target_semaphore(%arg12 : memref<!tpu.dma_semaphore, #tpu.memory_space<semaphore_mem>>)
      %dma_wait3A = arith.constant 0 : i32
      %dma_wait3A_34 = tpu.memref_slice %arg11[%mul3A_30, %dma_wait3A] : memref<10112x128xf32, #tpu.memory_space<vmem_shared>> -> memref<632x128xf32, #tpu.memory_space<vmem_shared>>
      %dma_wait3A_35 = arith.constant 0 : i32
      %dma_wait3A_36 = tpu.memref_slice %arg2[%mul3A_28, %dma_wait3A_35] : memref<10112x128xf32, #tpu.memory_space<hbm>> -> memref<632x128xf32, #tpu.memory_space<hbm>>
      tpu.wait_dma2 semaphore(%arg12 : memref<!tpu.dma_semaphore, #tpu.memory_space<semaphore_mem>>) src(%dma_wait3A_36 : memref<632x128xf32, #tpu.memory_space<hbm>>) dst(%dma_wait3A_34 : memref<632x128xf32, #tpu.memory_space<vmem_shared>>)
      %dma_start3A_37 = arith.constant 0 : i32
      %dma_start3A_38 = arith.constant 0 : i32
      %dma_start3A_39 = tpu.memref_slice %arg4[%arg1, %dma_start3A_37, %dma_start3A_38] : memref<16x80x128xi32, #tpu.memory_space<hbm>> -> memref<1x80x128xi32, #tpu.memory_space<hbm>>
      %dma_start3A_40 = tpu.memref_squeeze %dma_start3A_39 : memref<1x80x128xi32, #tpu.memory_space<hbm>> -> memref<80x128xi32, #tpu.memory_space<hbm>>
      %dma_start3A_41 = arith.constant 0 : i32
      %dma_start3A_42 = arith.constant 0 : i32
      %dma_start3A_43 = tpu.memref_slice %arg4[%arg1, %dma_start3A_41, %dma_start3A_42] : memref<16x80x128xi32, #tpu.memory_space<hbm>> -> memref<1x80x128xi32, #tpu.memory_space<hbm>>
      %dma_start3A_44 = tpu.memref_squeeze %dma_start3A_43 : memref<1x80x128xi32, #tpu.memory_space<hbm>> -> memref<80x128xi32, #tpu.memory_space<hbm>>
      tpu.enqueue_dma source(%dma_start3A_44 : memref<80x128xi32, #tpu.memory_space<hbm>>) target(%arg8 : memref<80x128xi32, #tpu.memory_space<vmem>>) target_semaphore(%arg12 : memref<!tpu.dma_semaphore, #tpu.memory_space<semaphore_mem>>)
      %dma_wait3A_45 = arith.constant 0 : i32
      %dma_wait3A_46 = arith.constant 0 : i32
      %dma_wait3A_47 = tpu.memref_slice %arg4[%arg1, %dma_wait3A_45, %dma_wait3A_46] : memref<16x80x128xi32, #tpu.memory_space<hbm>> -> memref<1x80x128xi32, #tpu.memory_space<hbm>>
      %dma_wait3A_48 = tpu.memref_squeeze %dma_wait3A_47 : memref<1x80x128xi32, #tpu.memory_space<hbm>> -> memref<80x128xi32, #tpu.memory_space<hbm>>
      %dma_wait3A_49 = arith.constant 0 : i32
      %dma_wait3A_50 = arith.constant 0 : i32
      %dma_wait3A_51 = tpu.memref_slice %arg4[%arg1, %dma_wait3A_49, %dma_wait3A_50] : memref<16x80x128xi32, #tpu.memory_space<hbm>> -> memref<1x80x128xi32, #tpu.memory_space<hbm>>
      %dma_wait3A_52 = tpu.memref_squeeze %dma_wait3A_51 : memref<1x80x128xi32, #tpu.memory_space<hbm>> -> memref<80x128xi32, #tpu.memory_space<hbm>>
      tpu.wait_dma2 semaphore(%arg12 : memref<!tpu.dma_semaphore, #tpu.memory_space<semaphore_mem>>) src(%dma_wait3A_52 : memref<80x128xi32, #tpu.memory_space<hbm>>) dst(%arg8 : memref<80x128xi32, #tpu.memory_space<vmem>>)
      %dma_start3A_53 = arith.constant 0 : i32
      %dma_start3A_54 = arith.constant 0 : i32
      %dma_start3A_55 = tpu.memref_slice %arg5[%arg1, %dma_start3A_53, %dma_start3A_54] : memref<16x80x128xi32, #tpu.memory_space<hbm>> -> memref<1x80x128xi32, #tpu.memory_space<hbm>>
      %dma_start3A_56 = tpu.memref_squeeze %dma_start3A_55 : memref<1x80x128xi32, #tpu.memory_space<hbm>> -> memref<80x128xi32, #tpu.memory_space<hbm>>
      %dma_start3A_57 = arith.constant 0 : i32
      %dma_start3A_58 = arith.constant 0 : i32
      %dma_start3A_59 = tpu.memref_slice %arg5[%arg1, %dma_start3A_57, %dma_start3A_58] : memref<16x80x128xi32, #tpu.memory_space<hbm>> -> memref<1x80x128xi32, #tpu.memory_space<hbm>>
      %dma_start3A_60 = tpu.memref_squeeze %dma_start3A_59 : memref<1x80x128xi32, #tpu.memory_space<hbm>> -> memref<80x128xi32, #tpu.memory_space<hbm>>
      tpu.enqueue_dma source(%dma_start3A_60 : memref<80x128xi32, #tpu.memory_space<hbm>>) target(%arg9 : memref<80x128xi32, #tpu.memory_space<vmem>>) target_semaphore(%arg12 : memref<!tpu.dma_semaphore, #tpu.memory_space<semaphore_mem>>)
      %dma_wait3A_61 = arith.constant 0 : i32
      %dma_wait3A_62 = arith.constant 0 : i32
      %dma_wait3A_63 = tpu.memref_slice %arg5[%arg1, %dma_wait3A_61, %dma_wait3A_62] : memref<16x80x128xi32, #tpu.memory_space<hbm>> -> memref<1x80x128xi32, #tpu.memory_space<hbm>>
      %dma_wait3A_64 = tpu.memref_squeeze %dma_wait3A_63 : memref<1x80x128xi32, #tpu.memory_space<hbm>> -> memref<80x128xi32, #tpu.memory_space<hbm>>
      %dma_wait3A_65 = arith.constant 0 : i32
      %dma_wait3A_66 = arith.constant 0 : i32
      %dma_wait3A_67 = tpu.memref_slice %arg5[%arg1, %dma_wait3A_65, %dma_wait3A_66] : memref<16x80x128xi32, #tpu.memory_space<hbm>> -> memref<1x80x128xi32, #tpu.memory_space<hbm>>
      %dma_wait3A_68 = tpu.memref_squeeze %dma_wait3A_67 : memref<1x80x128xi32, #tpu.memory_space<hbm>> -> memref<80x128xi32, #tpu.memory_space<hbm>>
      tpu.wait_dma2 semaphore(%arg12 : memref<!tpu.dma_semaphore, #tpu.memory_space<semaphore_mem>>) src(%dma_wait3A_68 : memref<80x128xi32, #tpu.memory_space<hbm>>) dst(%arg9 : memref<80x128xi32, #tpu.memory_space<vmem>>)
    } else {
    }
    %eq3A_2 = arith.constant 1 : i32
    %eq3A_3 = arith.cmpi eq, %arg0, %eq3A_2 : i32
    %convert_element_type3A_4 = arith.extui %eq3A_3 : i1 to i32
    %cond3A_5 = arith.constant 0 : i32
    %cond3A_6 = arith.cmpi ne, %convert_element_type3A_4, %cond3A_5 : i32
    scf.if %cond3A_6 {
      %mul3A = arith.constant 632 : i32
      %mul3A_28 = arith.muli %arg1, %mul3A : i32
      %mul3A_29 = arith.constant 632 : i32
      %mul3A_30 = arith.muli %arg1, %mul3A_29 : i32
      %dma_start3A = arith.constant 0 : i32
      %dma_start3A_31 = tpu.memref_slice %arg11[%mul3A_30, %dma_start3A] : memref<10112x128xf32, #tpu.memory_space<vmem_shared>> -> memref<632x128xf32, #tpu.memory_space<vmem_shared>>
      %dma_start3A_32 = arith.constant 0 : i32
      %dma_start3A_33 = tpu.memref_slice %arg3[%mul3A_28, %dma_start3A_32] : memref<10112x128xf32, #tpu.memory_space<hbm>> -> memref<632x128xf32, #tpu.memory_space<hbm>>
      tpu.enqueue_dma source(%dma_start3A_33 : memref<632x128xf32, #tpu.memory_space<hbm>>) target(%dma_start3A_31 : memref<632x128xf32, #tpu.memory_space<vmem_shared>>) target_semaphore(%arg12 : memref<!tpu.dma_semaphore, #tpu.memory_space<semaphore_mem>>)
      %dma_wait3A = arith.constant 0 : i32
      %dma_wait3A_34 = tpu.memref_slice %arg11[%mul3A_30, %dma_wait3A] : memref<10112x128xf32, #tpu.memory_space<vmem_shared>> -> memref<632x128xf32, #tpu.memory_space<vmem_shared>>
      %dma_wait3A_35 = arith.constant 0 : i32
      %dma_wait3A_36 = tpu.memref_slice %arg3[%mul3A_28, %dma_wait3A_35] : memref<10112x128xf32, #tpu.memory_space<hbm>> -> memref<632x128xf32, #tpu.memory_space<hbm>>
      tpu.wait_dma2 semaphore(%arg12 : memref<!tpu.dma_semaphore, #tpu.memory_space<semaphore_mem>>) src(%dma_wait3A_36 : memref<632x128xf32, #tpu.memory_space<hbm>>) dst(%dma_wait3A_34 : memref<632x128xf32, #tpu.memory_space<vmem_shared>>)
      %dma_start3A_37 = arith.constant 0 : i32
      %dma_start3A_38 = arith.constant 0 : i32
      %dma_start3A_39 = tpu.memref_slice %arg4[%arg1, %dma_start3A_37, %dma_start3A_38] : memref<16x80x128xi32, #tpu.memory_space<hbm>> -> memref<1x80x128xi32, #tpu.memory_space<hbm>>
      %dma_start3A_40 = tpu.memref_squeeze %dma_start3A_39 : memref<1x80x128xi32, #tpu.memory_space<hbm>> -> memref<80x128xi32, #tpu.memory_space<hbm>>
      %dma_start3A_41 = arith.constant 0 : i32
      %dma_start3A_42 = arith.constant 0 : i32
      %dma_start3A_43 = tpu.memref_slice %arg4[%arg1, %dma_start3A_41, %dma_start3A_42] : memref<16x80x128xi32, #tpu.memory_space<hbm>> -> memref<1x80x128xi32, #tpu.memory_space<hbm>>
      %dma_start3A_44 = tpu.memref_squeeze %dma_start3A_43 : memref<1x80x128xi32, #tpu.memory_space<hbm>> -> memref<80x128xi32, #tpu.memory_space<hbm>>
      tpu.enqueue_dma source(%dma_start3A_44 : memref<80x128xi32, #tpu.memory_space<hbm>>) target(%arg8 : memref<80x128xi32, #tpu.memory_space<vmem>>) target_semaphore(%arg12 : memref<!tpu.dma_semaphore, #tpu.memory_space<semaphore_mem>>)
      %dma_wait3A_45 = arith.constant 0 : i32
      %dma_wait3A_46 = arith.constant 0 : i32
      %dma_wait3A_47 = tpu.memref_slice %arg4[%arg1, %dma_wait3A_45, %dma_wait3A_46] : memref<16x80x128xi32, #tpu.memory_space<hbm>> -> memref<1x80x128xi32, #tpu.memory_space<hbm>>
      %dma_wait3A_48 = tpu.memref_squeeze %dma_wait3A_47 : memref<1x80x128xi32, #tpu.memory_space<hbm>> -> memref<80x128xi32, #tpu.memory_space<hbm>>
      %dma_wait3A_49 = arith.constant 0 : i32
      %dma_wait3A_50 = arith.constant 0 : i32
      %dma_wait3A_51 = tpu.memref_slice %arg4[%arg1, %dma_wait3A_49, %dma_wait3A_50] : memref<16x80x128xi32, #tpu.memory_space<hbm>> -> memref<1x80x128xi32, #tpu.memory_space<hbm>>
      %dma_wait3A_52 = tpu.memref_squeeze %dma_wait3A_51 : memref<1x80x128xi32, #tpu.memory_space<hbm>> -> memref<80x128xi32, #tpu.memory_space<hbm>>
      tpu.wait_dma2 semaphore(%arg12 : memref<!tpu.dma_semaphore, #tpu.memory_space<semaphore_mem>>) src(%dma_wait3A_52 : memref<80x128xi32, #tpu.memory_space<hbm>>) dst(%arg8 : memref<80x128xi32, #tpu.memory_space<vmem>>)
      %dma_start3A_53 = arith.constant 0 : i32
      %dma_start3A_54 = arith.constant 0 : i32
      %dma_start3A_55 = tpu.memref_slice %arg5[%arg1, %dma_start3A_53, %dma_start3A_54] : memref<16x80x128xi32, #tpu.memory_space<hbm>> -> memref<1x80x128xi32, #tpu.memory_space<hbm>>
      %dma_start3A_56 = tpu.memref_squeeze %dma_start3A_55 : memref<1x80x128xi32, #tpu.memory_space<hbm>> -> memref<80x128xi32, #tpu.memory_space<hbm>>
      %dma_start3A_57 = arith.constant 0 : i32
      %dma_start3A_58 = arith.constant 0 : i32
      %dma_start3A_59 = tpu.memref_slice %arg5[%arg1, %dma_start3A_57, %dma_start3A_58] : memref<16x80x128xi32, #tpu.memory_space<hbm>> -> memref<1x80x128xi32, #tpu.memory_space<hbm>>
      %dma_start3A_60 = tpu.memref_squeeze %dma_start3A_59 : memref<1x80x128xi32, #tpu.memory_space<hbm>> -> memref<80x128xi32, #tpu.memory_space<hbm>>
      tpu.enqueue_dma source(%dma_start3A_60 : memref<80x128xi32, #tpu.memory_space<hbm>>) target(%arg9 : memref<80x128xi32, #tpu.memory_space<vmem>>) target_semaphore(%arg12 : memref<!tpu.dma_semaphore, #tpu.memory_space<semaphore_mem>>)
      %dma_wait3A_61 = arith.constant 0 : i32
      %dma_wait3A_62 = arith.constant 0 : i32
      %dma_wait3A_63 = tpu.memref_slice %arg5[%arg1, %dma_wait3A_61, %dma_wait3A_62] : memref<16x80x128xi32, #tpu.memory_space<hbm>> -> memref<1x80x128xi32, #tpu.memory_space<hbm>>
      %dma_wait3A_64 = tpu.memref_squeeze %dma_wait3A_63 : memref<1x80x128xi32, #tpu.memory_space<hbm>> -> memref<80x128xi32, #tpu.memory_space<hbm>>
      %dma_wait3A_65 = arith.constant 0 : i32
      %dma_wait3A_66 = arith.constant 0 : i32
      %dma_wait3A_67 = tpu.memref_slice %arg5[%arg1, %dma_wait3A_65, %dma_wait3A_66] : memref<16x80x128xi32, #tpu.memory_space<hbm>> -> memref<1x80x128xi32, #tpu.memory_space<hbm>>
      %dma_wait3A_68 = tpu.memref_squeeze %dma_wait3A_67 : memref<1x80x128xi32, #tpu.memory_space<hbm>> -> memref<80x128xi32, #tpu.memory_space<hbm>>
      tpu.wait_dma2 semaphore(%arg12 : memref<!tpu.dma_semaphore, #tpu.memory_space<semaphore_mem>>) src(%dma_wait3A_68 : memref<80x128xi32, #tpu.memory_space<hbm>>) dst(%arg9 : memref<80x128xi32, #tpu.memory_space<vmem>>)
    } else {
    }
    %barrier3A = arith.constant 0 : index
    tpu.barrier barrier_id(%barrier3A)
    %eq3A_7 = arith.constant 0 : i32
    %eq3A_8 = arith.cmpi eq, %arg0, %eq3A_7 : i32
    %convert_element_type3A_9 = arith.extui %eq3A_8 : i1 to i32
    %cond3A_10 = arith.constant 0 : i32
    %cond3A_11 = arith.cmpi ne, %convert_element_type3A_9, %cond3A_10 : i32
    scf.if %cond3A_11 {
      %scan3A = arith.constant 0 : i32
      %scan3A_28 = arith.constant 0 : i32
      %scan3A_29 = arith.constant 80 : i32
      %scan3A_30 = arith.addi %scan3A_28, %scan3A_29 : i32
      %scan3A_31 = arith.constant 1 : i32
      %scan3A_32 = scf.for %scan3A_34 = %scan3A_28 to %scan3A_30 step %scan3A_31 iter_args(%scan3A_35 = %scan3A) -> (i32)  : i32 {
        %dma_start3A = arith.constant 0 : i32
        %dma_start3A_36 = tpu.memref_slice %arg8[%scan3A_34, %dma_start3A] : memref<80x128xi32, #tpu.memory_space<vmem>> -> memref<1x128xi32, #tpu.memory_space<vmem>>
        %dma_start3A_37 = tpu.memref_squeeze %dma_start3A_36 : memref<1x128xi32, #tpu.memory_space<vmem>> -> memref<128xi32, #tpu.memory_space<vmem>>
        %dma_start3A_38 = arith.constant 0 : i32
        %dma_start3A_39 = arith.constant 0 : i32
        %dma_start3A_40 = tpu.memref_slice %arg2[%dma_start3A_38, %dma_start3A_39] : memref<10112x128xf32, #tpu.memory_space<hbm>> -> memref<10112x128xf32, #tpu.memory_space<hbm>>
        tpu.enqueue_indirect_dma source(%dma_start3A_40 : memref<10112x128xf32, #tpu.memory_space<hbm>>) target(%arg10 : memref<128x128xf32, #tpu.memory_space<vmem>>) offsets(%dma_start3A_37 : memref<128xi32, #tpu.memory_space<vmem>>) semaphore(%arg12 : memref<!tpu.dma_semaphore, #tpu.memory_space<semaphore_mem>>)
        %dma_wait3A = arith.constant 0 : i32
        %dma_wait3A_41 = tpu.memref_slice %arg8[%scan3A_34, %dma_wait3A] : memref<80x128xi32, #tpu.memory_space<vmem>> -> memref<1x128xi32, #tpu.memory_space<vmem>>
        %dma_wait3A_42 = tpu.memref_squeeze %dma_wait3A_41 : memref<1x128xi32, #tpu.memory_space<vmem>> -> memref<128xi32, #tpu.memory_space<vmem>>
        %dma_wait3A_43 = arith.constant 0 : i32
        %dma_wait3A_44 = arith.constant 0 : i32
        %dma_wait3A_45 = tpu.memref_slice %arg2[%dma_wait3A_43, %dma_wait3A_44] : memref<10112x128xf32, #tpu.memory_space<hbm>> -> memref<10112x128xf32, #tpu.memory_space<hbm>>
        tpu.wait_indirect_dma semaphore(%arg12 : memref<!tpu.dma_semaphore, #tpu.memory_space<semaphore_mem>>) src(%dma_wait3A_45 : memref<10112x128xf32, #tpu.memory_space<hbm>>) dst(%arg10 : memref<128x128xf32, #tpu.memory_space<vmem>>)
        "tpu.region"() ({
          %run_scoped3A = tpu.sem_alloc : memref<!tpu.dma_semaphore, #tpu.memory_space<semaphore_mem>>
          %dma_start3A_47 = arith.constant 0 : i32
          %dma_start3A_48 = tpu.memref_slice %arg9[%scan3A_34, %dma_start3A_47] : memref<80x128xi32, #tpu.memory_space<vmem>> -> memref<1x128xi32, #tpu.memory_space<vmem>>
          %dma_start3A_49 = tpu.memref_squeeze %dma_start3A_48 : memref<1x128xi32, #tpu.memory_space<vmem>> -> memref<128xi32, #tpu.memory_space<vmem>>
          %dma_start3A_50 = arith.constant 0 : i32
          %dma_start3A_51 = arith.constant 0 : i32
          %dma_start3A_52 = tpu.memref_slice %arg11[%dma_start3A_50, %dma_start3A_51] : memref<10112x128xf32, #tpu.memory_space<vmem_shared>> -> memref<10112x128xf32, #tpu.memory_space<vmem_shared>>
          tpu.enqueue_indirect_dma source(%arg10 : memref<128x128xf32, #tpu.memory_space<vmem>>) target(%dma_start3A_52 : memref<10112x128xf32, #tpu.memory_space<vmem_shared>>) offsets(%dma_start3A_49 : memref<128xi32, #tpu.memory_space<vmem>>) semaphore(%run_scoped3A : memref<!tpu.dma_semaphore, #tpu.memory_space<semaphore_mem>>) {add = true}
          %dma_wait3A_53 = arith.constant 0 : i32
          %dma_wait3A_54 = tpu.memref_slice %arg9[%scan3A_34, %dma_wait3A_53] : memref<80x128xi32, #tpu.memory_space<vmem>> -> memref<1x128xi32, #tpu.memory_space<vmem>>
          %dma_wait3A_55 = tpu.memref_squeeze %dma_wait3A_54 : memref<1x128xi32, #tpu.memory_space<vmem>> -> memref<128xi32, #tpu.memory_space<vmem>>
          %dma_wait3A_56 = arith.constant 0 : i32
          %dma_wait3A_57 = arith.constant 0 : i32
          %dma_wait3A_58 = tpu.memref_slice %arg11[%dma_wait3A_56, %dma_wait3A_57] : memref<10112x128xf32, #tpu.memory_space<vmem_shared>> -> memref<10112x128xf32, #tpu.memory_space<vmem_shared>>
          tpu.wait_indirect_dma semaphore(%run_scoped3A : memref<!tpu.dma_semaphore, #tpu.memory_space<semaphore_mem>>) src(%arg10 : memref<128x128xf32, #tpu.memory_space<vmem>>) dst(%dma_wait3A_58 : memref<10112x128xf32, #tpu.memory_space<vmem_shared>>)
          tpu.yield
        }) : () -> ()
        %scan3A_46 = arith.constant 0 : i32
        scf.yield %scan3A_46 : i32
      }
      %scan3A_33 = arith.constant 80 : i32
    } else {
    }
    %eq3A_12 = arith.constant 1 : i32
    %eq3A_13 = arith.cmpi eq, %arg0, %eq3A_12 : i32
    %convert_element_type3A_14 = arith.extui %eq3A_13 : i1 to i32
    %cond3A_15 = arith.constant 0 : i32
    %cond3A_16 = arith.cmpi ne, %convert_element_type3A_14, %cond3A_15 : i32
    scf.if %cond3A_16 {
      %scan3A = arith.constant 0 : i32
      %scan3A_28 = arith.constant 0 : i32
      %scan3A_29 = arith.constant 80 : i32
      %scan3A_30 = arith.addi %scan3A_28, %scan3A_29 : i32
      %scan3A_31 = arith.constant 1 : i32
      %scan3A_32 = scf.for %scan3A_34 = %scan3A_28 to %scan3A_30 step %scan3A_31 iter_args(%scan3A_35 = %scan3A) -> (i32)  : i32 {
        %dma_start3A = arith.constant 0 : i32
        %dma_start3A_36 = tpu.memref_slice %arg8[%scan3A_34, %dma_start3A] : memref<80x128xi32, #tpu.memory_space<vmem>> -> memref<1x128xi32, #tpu.memory_space<vmem>>
        %dma_start3A_37 = tpu.memref_squeeze %dma_start3A_36 : memref<1x128xi32, #tpu.memory_space<vmem>> -> memref<128xi32, #tpu.memory_space<vmem>>
        %dma_start3A_38 = arith.constant 0 : i32
        %dma_start3A_39 = arith.constant 0 : i32
        %dma_start3A_40 = tpu.memref_slice %arg3[%dma_start3A_38, %dma_start3A_39] : memref<10112x128xf32, #tpu.memory_space<hbm>> -> memref<10112x128xf32, #tpu.memory_space<hbm>>
        tpu.enqueue_indirect_dma source(%dma_start3A_40 : memref<10112x128xf32, #tpu.memory_space<hbm>>) target(%arg10 : memref<128x128xf32, #tpu.memory_space<vmem>>) offsets(%dma_start3A_37 : memref<128xi32, #tpu.memory_space<vmem>>) semaphore(%arg12 : memref<!tpu.dma_semaphore, #tpu.memory_space<semaphore_mem>>)
        %dma_wait3A = arith.constant 0 : i32
        %dma_wait3A_41 = tpu.memref_slice %arg8[%scan3A_34, %dma_wait3A] : memref<80x128xi32, #tpu.memory_space<vmem>> -> memref<1x128xi32, #tpu.memory_space<vmem>>
        %dma_wait3A_42 = tpu.memref_squeeze %dma_wait3A_41 : memref<1x128xi32, #tpu.memory_space<vmem>> -> memref<128xi32, #tpu.memory_space<vmem>>
        %dma_wait3A_43 = arith.constant 0 : i32
        %dma_wait3A_44 = arith.constant 0 : i32
        %dma_wait3A_45 = tpu.memref_slice %arg3[%dma_wait3A_43, %dma_wait3A_44] : memref<10112x128xf32, #tpu.memory_space<hbm>> -> memref<10112x128xf32, #tpu.memory_space<hbm>>
        tpu.wait_indirect_dma semaphore(%arg12 : memref<!tpu.dma_semaphore, #tpu.memory_space<semaphore_mem>>) src(%dma_wait3A_45 : memref<10112x128xf32, #tpu.memory_space<hbm>>) dst(%arg10 : memref<128x128xf32, #tpu.memory_space<vmem>>)
        "tpu.region"() ({
          %run_scoped3A = tpu.sem_alloc : memref<!tpu.dma_semaphore, #tpu.memory_space<semaphore_mem>>
          %dma_start3A_47 = arith.constant 0 : i32
          %dma_start3A_48 = tpu.memref_slice %arg9[%scan3A_34, %dma_start3A_47] : memref<80x128xi32, #tpu.memory_space<vmem>> -> memref<1x128xi32, #tpu.memory_space<vmem>>
          %dma_start3A_49 = tpu.memref_squeeze %dma_start3A_48 : memref<1x128xi32, #tpu.memory_space<vmem>> -> memref<128xi32, #tpu.memory_space<vmem>>
          %dma_start3A_50 = arith.constant 0 : i32
          %dma_start3A_51 = arith.constant 0 : i32
          %dma_start3A_52 = tpu.memref_slice %arg11[%dma_start3A_50, %dma_start3A_51] : memref<10112x128xf32, #tpu.memory_space<vmem_shared>> -> memref<10112x128xf32, #tpu.memory_space<vmem_shared>>
          tpu.enqueue_indirect_dma source(%arg10 : memref<128x128xf32, #tpu.memory_space<vmem>>) target(%dma_start3A_52 : memref<10112x128xf32, #tpu.memory_space<vmem_shared>>) offsets(%dma_start3A_49 : memref<128xi32, #tpu.memory_space<vmem>>) semaphore(%run_scoped3A : memref<!tpu.dma_semaphore, #tpu.memory_space<semaphore_mem>>) {add = true}
          %dma_wait3A_53 = arith.constant 0 : i32
          %dma_wait3A_54 = tpu.memref_slice %arg9[%scan3A_34, %dma_wait3A_53] : memref<80x128xi32, #tpu.memory_space<vmem>> -> memref<1x128xi32, #tpu.memory_space<vmem>>
          %dma_wait3A_55 = tpu.memref_squeeze %dma_wait3A_54 : memref<1x128xi32, #tpu.memory_space<vmem>> -> memref<128xi32, #tpu.memory_space<vmem>>
          %dma_wait3A_56 = arith.constant 0 : i32
          %dma_wait3A_57 = arith.constant 0 : i32
          %dma_wait3A_58 = tpu.memref_slice %arg11[%dma_wait3A_56, %dma_wait3A_57] : memref<10112x128xf32, #tpu.memory_space<vmem_shared>> -> memref<10112x128xf32, #tpu.memory_space<vmem_shared>>
          tpu.wait_indirect_dma semaphore(%run_scoped3A : memref<!tpu.dma_semaphore, #tpu.memory_space<semaphore_mem>>) src(%arg10 : memref<128x128xf32, #tpu.memory_space<vmem>>) dst(%dma_wait3A_58 : memref<10112x128xf32, #tpu.memory_space<vmem_shared>>)
          tpu.yield
        }) : () -> ()
        %scan3A_46 = arith.constant 0 : i32
        scf.yield %scan3A_46 : i32
      }
      %scan3A_33 = arith.constant 80 : i32
    } else {
    }
    %barrier3A_17 = arith.constant 0 : index
    tpu.barrier barrier_id(%barrier3A_17)
    %eq3A_18 = arith.constant 0 : i32
    %eq3A_19 = arith.cmpi eq, %arg0, %eq3A_18 : i32
    %convert_element_type3A_20 = arith.extui %eq3A_19 : i1 to i32
    %cond3A_21 = arith.constant 0 : i32
    %cond3A_22 = arith.cmpi ne, %convert_element_type3A_20, %cond3A_21 : i32
    scf.if %cond3A_22 {
      %mul3A = arith.constant 632 : i32
      %mul3A_28 = arith.muli %arg1, %mul3A : i32
      %mul3A_29 = arith.constant 632 : i32
      %mul3A_30 = arith.muli %arg1, %mul3A_29 : i32
      "tpu.region"() ({
        %run_scoped3A = tpu.sem_alloc : memref<!tpu.dma_semaphore, #tpu.memory_space<semaphore_mem>>
        %dma_start3A = arith.constant 0 : i32
        %dma_start3A_31 = tpu.memref_slice %arg6[%mul3A_30, %dma_start3A] : memref<10112x128xf32, #tpu.memory_space<hbm>> -> memref<632x128xf32, #tpu.memory_space<hbm>>
        %dma_start3A_32 = arith.constant 0 : i32
        %dma_start3A_33 = tpu.memref_slice %arg11[%mul3A_28, %dma_start3A_32] : memref<10112x128xf32, #tpu.memory_space<vmem_shared>> -> memref<632x128xf32, #tpu.memory_space<vmem_shared>>
        tpu.enqueue_dma source(%dma_start3A_33 : memref<632x128xf32, #tpu.memory_space<vmem_shared>>) target(%dma_start3A_31 : memref<632x128xf32, #tpu.memory_space<hbm>>) target_semaphore(%run_scoped3A : memref<!tpu.dma_semaphore, #tpu.memory_space<semaphore_mem>>)
        %dma_wait3A = arith.constant 0 : i32
        %dma_wait3A_34 = tpu.memref_slice %arg6[%mul3A_30, %dma_wait3A] : memref<10112x128xf32, #tpu.memory_space<hbm>> -> memref<632x128xf32, #tpu.memory_space<hbm>>
        %dma_wait3A_35 = arith.constant 0 : i32
        %dma_wait3A_36 = tpu.memref_slice %arg11[%mul3A_28, %dma_wait3A_35] : memref<10112x128xf32, #tpu.memory_space<vmem_shared>> -> memref<632x128xf32, #tpu.memory_space<vmem_shared>>
        tpu.wait_dma2 semaphore(%run_scoped3A : memref<!tpu.dma_semaphore, #tpu.memory_space<semaphore_mem>>) src(%dma_wait3A_36 : memref<632x128xf32, #tpu.memory_space<vmem_shared>>) dst(%dma_wait3A_34 : memref<632x128xf32, #tpu.memory_space<hbm>>)
        tpu.yield
      }) : () -> ()
    } else {
    }
    %eq3A_23 = arith.constant 1 : i32
    %eq3A_24 = arith.cmpi eq, %arg0, %eq3A_23 : i32
    %convert_element_type3A_25 = arith.extui %eq3A_24 : i1 to i32
    %cond3A_26 = arith.constant 0 : i32
    %cond3A_27 = arith.cmpi ne, %convert_element_type3A_25, %cond3A_26 : i32
    scf.if %cond3A_27 {
      %mul3A = arith.constant 632 : i32
      %mul3A_28 = arith.muli %arg1, %mul3A : i32
      %mul3A_29 = arith.constant 632 : i32
      %mul3A_30 = arith.muli %arg1, %mul3A_29 : i32
      "tpu.region"() ({
        %run_scoped3A = tpu.sem_alloc : memref<!tpu.dma_semaphore, #tpu.memory_space<semaphore_mem>>
        %dma_start3A = arith.constant 0 : i32
        %dma_start3A_31 = tpu.memref_slice %arg7[%mul3A_30, %dma_start3A] : memref<10112x128xf32, #tpu.memory_space<hbm>> -> memref<632x128xf32, #tpu.memory_space<hbm>>
        %dma_start3A_32 = arith.constant 0 : i32
        %dma_start3A_33 = tpu.memref_slice %arg11[%mul3A_28, %dma_start3A_32] : memref<10112x128xf32, #tpu.memory_space<vmem_shared>> -> memref<632x128xf32, #tpu.memory_space<vmem_shared>>
        tpu.enqueue_dma source(%dma_start3A_33 : memref<632x128xf32, #tpu.memory_space<vmem_shared>>) target(%dma_start3A_31 : memref<632x128xf32, #tpu.memory_space<hbm>>) target_semaphore(%run_scoped3A : memref<!tpu.dma_semaphore, #tpu.memory_space<semaphore_mem>>)
        %dma_wait3A = arith.constant 0 : i32
        %dma_wait3A_34 = tpu.memref_slice %arg7[%mul3A_30, %dma_wait3A] : memref<10112x128xf32, #tpu.memory_space<hbm>> -> memref<632x128xf32, #tpu.memory_space<hbm>>
        %dma_wait3A_35 = arith.constant 0 : i32
        %dma_wait3A_36 = tpu.memref_slice %arg11[%mul3A_28, %dma_wait3A_35] : memref<10112x128xf32, #tpu.memory_space<vmem_shared>> -> memref<632x128xf32, #tpu.memory_space<vmem_shared>>
        tpu.wait_dma2 semaphore(%run_scoped3A : memref<!tpu.dma_semaphore, #tpu.memory_space<semaphore_mem>>) src(%dma_wait3A_36 : memref<632x128xf32, #tpu.memory_space<vmem_shared>>) dst(%dma_wait3A_34 : memref<632x128xf32, #tpu.memory_space<hbm>>)
        tpu.yield
      }) : () -> ()
    } else {
    }
    return
  }
}

#map = affine_map<(d0, d1) -> (0, 0)>
#map1 = affine_map<(d0, d1) -> (0, 0, 0)>
module attributes {stable_mosaic.version = 14 : i64} {
  func.func @_sc_aggregate(%arg0: i32, %arg1: i32, %arg2: memref<10112x128xf32, #tpu.memory_space<hbm>>, %arg3: memref<10112x128xf32, #tpu.memory_space<hbm>>, %arg4: memref<16x80x128xi32, #tpu.memory_space<hbm>>, %arg5: memref<16x80x128xi32, #tpu.memory_space<hbm>>, %arg6: memref<10112x128xf32, #tpu.memory_space<hbm>>, %arg7: memref<10112x128xf32, #tpu.memory_space<hbm>>, %arg8: memref<80x128xi32, #tpu.memory_space<vmem>>, %arg9: memref<80x128xi32, #tpu.memory_space<vmem>>, %arg10: memref<128x128xf32, #tpu.memory_space<vmem>>, %arg11: memref<10112x128xf32, #tpu.memory_space<vmem_shared>>, %arg12: memref<!tpu.dma_semaphore, #tpu.memory_space<semaphore_mem>>) attributes {dimension_semantics = [#tpu.dimension_semantics<core_parallel>, #tpu.dimension_semantics<subcore_parallel>], iteration_bounds = array<i64: 2, 16>, scalar_prefetch = 0 : i64, scratch_operands = 5 : i64, tpu.core_type = #tpu.core_type<sc_vector_subcore>, window_params = [{transform_indices = #map}, {transform_indices = #map}, {transform_indices = #map1}, {transform_indices = #map1}, {transform_indices = #map}, {transform_indices = #map}]} {
    %eq3A = arith.constant 0 : i32
    %eq3A_0 = arith.cmpi eq, %arg0, %eq3A : i32
    %convert_element_type3A = arith.extui %eq3A_0 : i1 to i32
    %cond3A = arith.constant 0 : i32
    %cond3A_1 = arith.cmpi ne, %convert_element_type3A, %cond3A : i32
    scf.if %cond3A_1 {
      %mul3A = arith.constant 632 : i32
      %mul3A_28 = arith.muli %arg1, %mul3A : i32
      %mul3A_29 = arith.constant 632 : i32
      %mul3A_30 = arith.muli %arg1, %mul3A_29 : i32
      %dma_start3A = arith.constant 0 : i32
      %dma_start3A_31 = tpu.memref_slice %arg11[%mul3A_30, %dma_start3A] : memref<10112x128xf32, #tpu.memory_space<vmem_shared>> -> memref<632x128xf32, #tpu.memory_space<vmem_shared>>
      %dma_start3A_32 = arith.constant 0 : i32
      %dma_start3A_33 = tpu.memref_slice %arg2[%mul3A_28, %dma_start3A_32] : memref<10112x128xf32, #tpu.memory_space<hbm>> -> memref<632x128xf32, #tpu.memory_space<hbm>>
      tpu.enqueue_dma source(%dma_start3A_33 : memref<632x128xf32, #tpu.memory_space<hbm>>) target(%dma_start3A_31 : memref<632x128xf32, #tpu.memory_space<vmem_shared>>) target_semaphore(%arg12 : memref<!tpu.dma_semaphore, #tpu.memory_space<semaphore_mem>>)
      %dma_wait3A = arith.constant 0 : i32
      %dma_wait3A_34 = tpu.memref_slice %arg11[%mul3A_30, %dma_wait3A] : memref<10112x128xf32, #tpu.memory_space<vmem_shared>> -> memref<632x128xf32, #tpu.memory_space<vmem_shared>>
      %dma_wait3A_35 = arith.constant 0 : i32
      %dma_wait3A_36 = tpu.memref_slice %arg2[%mul3A_28, %dma_wait3A_35] : memref<10112x128xf32, #tpu.memory_space<hbm>> -> memref<632x128xf32, #tpu.memory_space<hbm>>
      tpu.wait_dma2 semaphore(%arg12 : memref<!tpu.dma_semaphore, #tpu.memory_space<semaphore_mem>>) src(%dma_wait3A_36 : memref<632x128xf32, #tpu.memory_space<hbm>>) dst(%dma_wait3A_34 : memref<632x128xf32, #tpu.memory_space<vmem_shared>>)
      %dma_start3A_37 = arith.constant 0 : i32
      %dma_start3A_38 = arith.constant 0 : i32
      %dma_start3A_39 = tpu.memref_slice %arg4[%arg1, %dma_start3A_37, %dma_start3A_38] : memref<16x80x128xi32, #tpu.memory_space<hbm>> -> memref<1x80x128xi32, #tpu.memory_space<hbm>>
      %dma_start3A_40 = tpu.memref_squeeze %dma_start3A_39 : memref<1x80x128xi32, #tpu.memory_space<hbm>> -> memref<80x128xi32, #tpu.memory_space<hbm>>
      %dma_start3A_41 = arith.constant 0 : i32
      %dma_start3A_42 = arith.constant 0 : i32
      %dma_start3A_43 = tpu.memref_slice %arg4[%arg1, %dma_start3A_41, %dma_start3A_42] : memref<16x80x128xi32, #tpu.memory_space<hbm>> -> memref<1x80x128xi32, #tpu.memory_space<hbm>>
      %dma_start3A_44 = tpu.memref_squeeze %dma_start3A_43 : memref<1x80x128xi32, #tpu.memory_space<hbm>> -> memref<80x128xi32, #tpu.memory_space<hbm>>
      tpu.enqueue_dma source(%dma_start3A_44 : memref<80x128xi32, #tpu.memory_space<hbm>>) target(%arg8 : memref<80x128xi32, #tpu.memory_space<vmem>>) target_semaphore(%arg12 : memref<!tpu.dma_semaphore, #tpu.memory_space<semaphore_mem>>)
      %dma_wait3A_45 = arith.constant 0 : i32
      %dma_wait3A_46 = arith.constant 0 : i32
      %dma_wait3A_47 = tpu.memref_slice %arg4[%arg1, %dma_wait3A_45, %dma_wait3A_46] : memref<16x80x128xi32, #tpu.memory_space<hbm>> -> memref<1x80x128xi32, #tpu.memory_space<hbm>>
      %dma_wait3A_48 = tpu.memref_squeeze %dma_wait3A_47 : memref<1x80x128xi32, #tpu.memory_space<hbm>> -> memref<80x128xi32, #tpu.memory_space<hbm>>
      %dma_wait3A_49 = arith.constant 0 : i32
      %dma_wait3A_50 = arith.constant 0 : i32
      %dma_wait3A_51 = tpu.memref_slice %arg4[%arg1, %dma_wait3A_49, %dma_wait3A_50] : memref<16x80x128xi32, #tpu.memory_space<hbm>> -> memref<1x80x128xi32, #tpu.memory_space<hbm>>
      %dma_wait3A_52 = tpu.memref_squeeze %dma_wait3A_51 : memref<1x80x128xi32, #tpu.memory_space<hbm>> -> memref<80x128xi32, #tpu.memory_space<hbm>>
      tpu.wait_dma2 semaphore(%arg12 : memref<!tpu.dma_semaphore, #tpu.memory_space<semaphore_mem>>) src(%dma_wait3A_52 : memref<80x128xi32, #tpu.memory_space<hbm>>) dst(%arg8 : memref<80x128xi32, #tpu.memory_space<vmem>>)
      %dma_start3A_53 = arith.constant 0 : i32
      %dma_start3A_54 = arith.constant 0 : i32
      %dma_start3A_55 = tpu.memref_slice %arg5[%arg1, %dma_start3A_53, %dma_start3A_54] : memref<16x80x128xi32, #tpu.memory_space<hbm>> -> memref<1x80x128xi32, #tpu.memory_space<hbm>>
      %dma_start3A_56 = tpu.memref_squeeze %dma_start3A_55 : memref<1x80x128xi32, #tpu.memory_space<hbm>> -> memref<80x128xi32, #tpu.memory_space<hbm>>
      %dma_start3A_57 = arith.constant 0 : i32
      %dma_start3A_58 = arith.constant 0 : i32
      %dma_start3A_59 = tpu.memref_slice %arg5[%arg1, %dma_start3A_57, %dma_start3A_58] : memref<16x80x128xi32, #tpu.memory_space<hbm>> -> memref<1x80x128xi32, #tpu.memory_space<hbm>>
      %dma_start3A_60 = tpu.memref_squeeze %dma_start3A_59 : memref<1x80x128xi32, #tpu.memory_space<hbm>> -> memref<80x128xi32, #tpu.memory_space<hbm>>
      tpu.enqueue_dma source(%dma_start3A_60 : memref<80x128xi32, #tpu.memory_space<hbm>>) target(%arg9 : memref<80x128xi32, #tpu.memory_space<vmem>>) target_semaphore(%arg12 : memref<!tpu.dma_semaphore, #tpu.memory_space<semaphore_mem>>)
      %dma_wait3A_61 = arith.constant 0 : i32
      %dma_wait3A_62 = arith.constant 0 : i32
      %dma_wait3A_63 = tpu.memref_slice %arg5[%arg1, %dma_wait3A_61, %dma_wait3A_62] : memref<16x80x128xi32, #tpu.memory_space<hbm>> -> memref<1x80x128xi32, #tpu.memory_space<hbm>>
      %dma_wait3A_64 = tpu.memref_squeeze %dma_wait3A_63 : memref<1x80x128xi32, #tpu.memory_space<hbm>> -> memref<80x128xi32, #tpu.memory_space<hbm>>
      %dma_wait3A_65 = arith.constant 0 : i32
      %dma_wait3A_66 = arith.constant 0 : i32
      %dma_wait3A_67 = tpu.memref_slice %arg5[%arg1, %dma_wait3A_65, %dma_wait3A_66] : memref<16x80x128xi32, #tpu.memory_space<hbm>> -> memref<1x80x128xi32, #tpu.memory_space<hbm>>
      %dma_wait3A_68 = tpu.memref_squeeze %dma_wait3A_67 : memref<1x80x128xi32, #tpu.memory_space<hbm>> -> memref<80x128xi32, #tpu.memory_space<hbm>>
      tpu.wait_dma2 semaphore(%arg12 : memref<!tpu.dma_semaphore, #tpu.memory_space<semaphore_mem>>) src(%dma_wait3A_68 : memref<80x128xi32, #tpu.memory_space<hbm>>) dst(%arg9 : memref<80x128xi32, #tpu.memory_space<vmem>>)
    } else {
    }
    %eq3A_2 = arith.constant 1 : i32
    %eq3A_3 = arith.cmpi eq, %arg0, %eq3A_2 : i32
    %convert_element_type3A_4 = arith.extui %eq3A_3 : i1 to i32
    %cond3A_5 = arith.constant 0 : i32
    %cond3A_6 = arith.cmpi ne, %convert_element_type3A_4, %cond3A_5 : i32
    scf.if %cond3A_6 {
      %mul3A = arith.constant 632 : i32
      %mul3A_28 = arith.muli %arg1, %mul3A : i32
      %mul3A_29 = arith.constant 632 : i32
      %mul3A_30 = arith.muli %arg1, %mul3A_29 : i32
      %dma_start3A = arith.constant 0 : i32
      %dma_start3A_31 = tpu.memref_slice %arg11[%mul3A_30, %dma_start3A] : memref<10112x128xf32, #tpu.memory_space<vmem_shared>> -> memref<632x128xf32, #tpu.memory_space<vmem_shared>>
      %dma_start3A_32 = arith.constant 0 : i32
      %dma_start3A_33 = tpu.memref_slice %arg3[%mul3A_28, %dma_start3A_32] : memref<10112x128xf32, #tpu.memory_space<hbm>> -> memref<632x128xf32, #tpu.memory_space<hbm>>
      tpu.enqueue_dma source(%dma_start3A_33 : memref<632x128xf32, #tpu.memory_space<hbm>>) target(%dma_start3A_31 : memref<632x128xf32, #tpu.memory_space<vmem_shared>>) target_semaphore(%arg12 : memref<!tpu.dma_semaphore, #tpu.memory_space<semaphore_mem>>)
      %dma_wait3A = arith.constant 0 : i32
      %dma_wait3A_34 = tpu.memref_slice %arg11[%mul3A_30, %dma_wait3A] : memref<10112x128xf32, #tpu.memory_space<vmem_shared>> -> memref<632x128xf32, #tpu.memory_space<vmem_shared>>
      %dma_wait3A_35 = arith.constant 0 : i32
      %dma_wait3A_36 = tpu.memref_slice %arg3[%mul3A_28, %dma_wait3A_35] : memref<10112x128xf32, #tpu.memory_space<hbm>> -> memref<632x128xf32, #tpu.memory_space<hbm>>
      tpu.wait_dma2 semaphore(%arg12 : memref<!tpu.dma_semaphore, #tpu.memory_space<semaphore_mem>>) src(%dma_wait3A_36 : memref<632x128xf32, #tpu.memory_space<hbm>>) dst(%dma_wait3A_34 : memref<632x128xf32, #tpu.memory_space<vmem_shared>>)
      %dma_start3A_37 = arith.constant 0 : i32
      %dma_start3A_38 = arith.constant 0 : i32
      %dma_start3A_39 = tpu.memref_slice %arg4[%arg1, %dma_start3A_37, %dma_start3A_38] : memref<16x80x128xi32, #tpu.memory_space<hbm>> -> memref<1x80x128xi32, #tpu.memory_space<hbm>>
      %dma_start3A_40 = tpu.memref_squeeze %dma_start3A_39 : memref<1x80x128xi32, #tpu.memory_space<hbm>> -> memref<80x128xi32, #tpu.memory_space<hbm>>
      %dma_start3A_41 = arith.constant 0 : i32
      %dma_start3A_42 = arith.constant 0 : i32
      %dma_start3A_43 = tpu.memref_slice %arg4[%arg1, %dma_start3A_41, %dma_start3A_42] : memref<16x80x128xi32, #tpu.memory_space<hbm>> -> memref<1x80x128xi32, #tpu.memory_space<hbm>>
      %dma_start3A_44 = tpu.memref_squeeze %dma_start3A_43 : memref<1x80x128xi32, #tpu.memory_space<hbm>> -> memref<80x128xi32, #tpu.memory_space<hbm>>
      tpu.enqueue_dma source(%dma_start3A_44 : memref<80x128xi32, #tpu.memory_space<hbm>>) target(%arg8 : memref<80x128xi32, #tpu.memory_space<vmem>>) target_semaphore(%arg12 : memref<!tpu.dma_semaphore, #tpu.memory_space<semaphore_mem>>)
      %dma_wait3A_45 = arith.constant 0 : i32
      %dma_wait3A_46 = arith.constant 0 : i32
      %dma_wait3A_47 = tpu.memref_slice %arg4[%arg1, %dma_wait3A_45, %dma_wait3A_46] : memref<16x80x128xi32, #tpu.memory_space<hbm>> -> memref<1x80x128xi32, #tpu.memory_space<hbm>>
      %dma_wait3A_48 = tpu.memref_squeeze %dma_wait3A_47 : memref<1x80x128xi32, #tpu.memory_space<hbm>> -> memref<80x128xi32, #tpu.memory_space<hbm>>
      %dma_wait3A_49 = arith.constant 0 : i32
      %dma_wait3A_50 = arith.constant 0 : i32
      %dma_wait3A_51 = tpu.memref_slice %arg4[%arg1, %dma_wait3A_49, %dma_wait3A_50] : memref<16x80x128xi32, #tpu.memory_space<hbm>> -> memref<1x80x128xi32, #tpu.memory_space<hbm>>
      %dma_wait3A_52 = tpu.memref_squeeze %dma_wait3A_51 : memref<1x80x128xi32, #tpu.memory_space<hbm>> -> memref<80x128xi32, #tpu.memory_space<hbm>>
      tpu.wait_dma2 semaphore(%arg12 : memref<!tpu.dma_semaphore, #tpu.memory_space<semaphore_mem>>) src(%dma_wait3A_52 : memref<80x128xi32, #tpu.memory_space<hbm>>) dst(%arg8 : memref<80x128xi32, #tpu.memory_space<vmem>>)
      %dma_start3A_53 = arith.constant 0 : i32
      %dma_start3A_54 = arith.constant 0 : i32
      %dma_start3A_55 = tpu.memref_slice %arg5[%arg1, %dma_start3A_53, %dma_start3A_54] : memref<16x80x128xi32, #tpu.memory_space<hbm>> -> memref<1x80x128xi32, #tpu.memory_space<hbm>>
      %dma_start3A_56 = tpu.memref_squeeze %dma_start3A_55 : memref<1x80x128xi32, #tpu.memory_space<hbm>> -> memref<80x128xi32, #tpu.memory_space<hbm>>
      %dma_start3A_57 = arith.constant 0 : i32
      %dma_start3A_58 = arith.constant 0 : i32
      %dma_start3A_59 = tpu.memref_slice %arg5[%arg1, %dma_start3A_57, %dma_start3A_58] : memref<16x80x128xi32, #tpu.memory_space<hbm>> -> memref<1x80x128xi32, #tpu.memory_space<hbm>>
      %dma_start3A_60 = tpu.memref_squeeze %dma_start3A_59 : memref<1x80x128xi32, #tpu.memory_space<hbm>> -> memref<80x128xi32, #tpu.memory_space<hbm>>
      tpu.enqueue_dma source(%dma_start3A_60 : memref<80x128xi32, #tpu.memory_space<hbm>>) target(%arg9 : memref<80x128xi32, #tpu.memory_space<vmem>>) target_semaphore(%arg12 : memref<!tpu.dma_semaphore, #tpu.memory_space<semaphore_mem>>)
      %dma_wait3A_61 = arith.constant 0 : i32
      %dma_wait3A_62 = arith.constant 0 : i32
      %dma_wait3A_63 = tpu.memref_slice %arg5[%arg1, %dma_wait3A_61, %dma_wait3A_62] : memref<16x80x128xi32, #tpu.memory_space<hbm>> -> memref<1x80x128xi32, #tpu.memory_space<hbm>>
      %dma_wait3A_64 = tpu.memref_squeeze %dma_wait3A_63 : memref<1x80x128xi32, #tpu.memory_space<hbm>> -> memref<80x128xi32, #tpu.memory_space<hbm>>
      %dma_wait3A_65 = arith.constant 0 : i32
      %dma_wait3A_66 = arith.constant 0 : i32
      %dma_wait3A_67 = tpu.memref_slice %arg5[%arg1, %dma_wait3A_65, %dma_wait3A_66] : memref<16x80x128xi32, #tpu.memory_space<hbm>> -> memref<1x80x128xi32, #tpu.memory_space<hbm>>
      %dma_wait3A_68 = tpu.memref_squeeze %dma_wait3A_67 : memref<1x80x128xi32, #tpu.memory_space<hbm>> -> memref<80x128xi32, #tpu.memory_space<hbm>>
      tpu.wait_dma2 semaphore(%arg12 : memref<!tpu.dma_semaphore, #tpu.memory_space<semaphore_mem>>) src(%dma_wait3A_68 : memref<80x128xi32, #tpu.memory_space<hbm>>) dst(%arg9 : memref<80x128xi32, #tpu.memory_space<vmem>>)
    } else {
    }
    %barrier3A = arith.constant 0 : index
    tpu.barrier barrier_id(%barrier3A)
    %eq3A_7 = arith.constant 0 : i32
    %eq3A_8 = arith.cmpi eq, %arg0, %eq3A_7 : i32
    %convert_element_type3A_9 = arith.extui %eq3A_8 : i1 to i32
    %cond3A_10 = arith.constant 0 : i32
    %cond3A_11 = arith.cmpi ne, %convert_element_type3A_9, %cond3A_10 : i32
    scf.if %cond3A_11 {
      %scan3A = arith.constant 0 : i32
      %scan3A_28 = arith.constant 0 : i32
      %scan3A_29 = arith.constant 80 : i32
      %scan3A_30 = arith.addi %scan3A_28, %scan3A_29 : i32
      %scan3A_31 = arith.constant 1 : i32
      %scan3A_32 = scf.for %scan3A_34 = %scan3A_28 to %scan3A_30 step %scan3A_31 iter_args(%scan3A_35 = %scan3A) -> (i32)  : i32 {
        %dma_start3A = arith.constant 0 : i32
        %dma_start3A_36 = tpu.memref_slice %arg8[%scan3A_34, %dma_start3A] : memref<80x128xi32, #tpu.memory_space<vmem>> -> memref<1x128xi32, #tpu.memory_space<vmem>>
        %dma_start3A_37 = tpu.memref_squeeze %dma_start3A_36 : memref<1x128xi32, #tpu.memory_space<vmem>> -> memref<128xi32, #tpu.memory_space<vmem>>
        %dma_start3A_38 = arith.constant 0 : i32
        %dma_start3A_39 = arith.constant 0 : i32
        %dma_start3A_40 = tpu.memref_slice %arg2[%dma_start3A_38, %dma_start3A_39] : memref<10112x128xf32, #tpu.memory_space<hbm>> -> memref<10112x128xf32, #tpu.memory_space<hbm>>
        tpu.enqueue_indirect_dma source(%dma_start3A_40 : memref<10112x128xf32, #tpu.memory_space<hbm>>) target(%arg10 : memref<128x128xf32, #tpu.memory_space<vmem>>) offsets(%dma_start3A_37 : memref<128xi32, #tpu.memory_space<vmem>>) semaphore(%arg12 : memref<!tpu.dma_semaphore, #tpu.memory_space<semaphore_mem>>)
        %dma_wait3A = arith.constant 0 : i32
        %dma_wait3A_41 = tpu.memref_slice %arg8[%scan3A_34, %dma_wait3A] : memref<80x128xi32, #tpu.memory_space<vmem>> -> memref<1x128xi32, #tpu.memory_space<vmem>>
        %dma_wait3A_42 = tpu.memref_squeeze %dma_wait3A_41 : memref<1x128xi32, #tpu.memory_space<vmem>> -> memref<128xi32, #tpu.memory_space<vmem>>
        %dma_wait3A_43 = arith.constant 0 : i32
        %dma_wait3A_44 = arith.constant 0 : i32
        %dma_wait3A_45 = tpu.memref_slice %arg2[%dma_wait3A_43, %dma_wait3A_44] : memref<10112x128xf32, #tpu.memory_space<hbm>> -> memref<10112x128xf32, #tpu.memory_space<hbm>>
        tpu.wait_indirect_dma semaphore(%arg12 : memref<!tpu.dma_semaphore, #tpu.memory_space<semaphore_mem>>) src(%dma_wait3A_45 : memref<10112x128xf32, #tpu.memory_space<hbm>>) dst(%arg10 : memref<128x128xf32, #tpu.memory_space<vmem>>)
        "tpu.region"() ({
          %run_scoped3A = tpu.sem_alloc : memref<!tpu.dma_semaphore, #tpu.memory_space<semaphore_mem>>
          %dma_start3A_47 = arith.constant 0 : i32
          %dma_start3A_48 = tpu.memref_slice %arg9[%scan3A_34, %dma_start3A_47] : memref<80x128xi32, #tpu.memory_space<vmem>> -> memref<1x128xi32, #tpu.memory_space<vmem>>
          %dma_start3A_49 = tpu.memref_squeeze %dma_start3A_48 : memref<1x128xi32, #tpu.memory_space<vmem>> -> memref<128xi32, #tpu.memory_space<vmem>>
          %dma_start3A_50 = arith.constant 0 : i32
          %dma_start3A_51 = arith.constant 0 : i32
          %dma_start3A_52 = tpu.memref_slice %arg11[%dma_start3A_50, %dma_start3A_51] : memref<10112x128xf32, #tpu.memory_space<vmem_shared>> -> memref<10112x128xf32, #tpu.memory_space<vmem_shared>>
          tpu.enqueue_indirect_dma source(%arg10 : memref<128x128xf32, #tpu.memory_space<vmem>>) target(%dma_start3A_52 : memref<10112x128xf32, #tpu.memory_space<vmem_shared>>) offsets(%dma_start3A_49 : memref<128xi32, #tpu.memory_space<vmem>>) semaphore(%run_scoped3A : memref<!tpu.dma_semaphore, #tpu.memory_space<semaphore_mem>>) {add = true}
          %dma_wait3A_53 = arith.constant 0 : i32
          %dma_wait3A_54 = tpu.memref_slice %arg9[%scan3A_34, %dma_wait3A_53] : memref<80x128xi32, #tpu.memory_space<vmem>> -> memref<1x128xi32, #tpu.memory_space<vmem>>
          %dma_wait3A_55 = tpu.memref_squeeze %dma_wait3A_54 : memref<1x128xi32, #tpu.memory_space<vmem>> -> memref<128xi32, #tpu.memory_space<vmem>>
          %dma_wait3A_56 = arith.constant 0 : i32
          %dma_wait3A_57 = arith.constant 0 : i32
          %dma_wait3A_58 = tpu.memref_slice %arg11[%dma_wait3A_56, %dma_wait3A_57] : memref<10112x128xf32, #tpu.memory_space<vmem_shared>> -> memref<10112x128xf32, #tpu.memory_space<vmem_shared>>
          tpu.wait_indirect_dma semaphore(%run_scoped3A : memref<!tpu.dma_semaphore, #tpu.memory_space<semaphore_mem>>) src(%arg10 : memref<128x128xf32, #tpu.memory_space<vmem>>) dst(%dma_wait3A_58 : memref<10112x128xf32, #tpu.memory_space<vmem_shared>>)
          tpu.yield
        }) : () -> ()
        %scan3A_46 = arith.constant 0 : i32
        scf.yield %scan3A_46 : i32
      }
      %scan3A_33 = arith.constant 80 : i32
    } else {
    }
    %eq3A_12 = arith.constant 1 : i32
    %eq3A_13 = arith.cmpi eq, %arg0, %eq3A_12 : i32
    %convert_element_type3A_14 = arith.extui %eq3A_13 : i1 to i32
    %cond3A_15 = arith.constant 0 : i32
    %cond3A_16 = arith.cmpi ne, %convert_element_type3A_14, %cond3A_15 : i32
    scf.if %cond3A_16 {
      %scan3A = arith.constant 0 : i32
      %scan3A_28 = arith.constant 0 : i32
      %scan3A_29 = arith.constant 80 : i32
      %scan3A_30 = arith.addi %scan3A_28, %scan3A_29 : i32
      %scan3A_31 = arith.constant 1 : i32
      %scan3A_32 = scf.for %scan3A_34 = %scan3A_28 to %scan3A_30 step %scan3A_31 iter_args(%scan3A_35 = %scan3A) -> (i32)  : i32 {
        %dma_start3A = arith.constant 0 : i32
        %dma_start3A_36 = tpu.memref_slice %arg8[%scan3A_34, %dma_start3A] : memref<80x128xi32, #tpu.memory_space<vmem>> -> memref<1x128xi32, #tpu.memory_space<vmem>>
        %dma_start3A_37 = tpu.memref_squeeze %dma_start3A_36 : memref<1x128xi32, #tpu.memory_space<vmem>> -> memref<128xi32, #tpu.memory_space<vmem>>
        %dma_start3A_38 = arith.constant 0 : i32
        %dma_start3A_39 = arith.constant 0 : i32
        %dma_start3A_40 = tpu.memref_slice %arg3[%dma_start3A_38, %dma_start3A_39] : memref<10112x128xf32, #tpu.memory_space<hbm>> -> memref<10112x128xf32, #tpu.memory_space<hbm>>
        tpu.enqueue_indirect_dma source(%dma_start3A_40 : memref<10112x128xf32, #tpu.memory_space<hbm>>) target(%arg10 : memref<128x128xf32, #tpu.memory_space<vmem>>) offsets(%dma_start3A_37 : memref<128xi32, #tpu.memory_space<vmem>>) semaphore(%arg12 : memref<!tpu.dma_semaphore, #tpu.memory_space<semaphore_mem>>)
        %dma_wait3A = arith.constant 0 : i32
        %dma_wait3A_41 = tpu.memref_slice %arg8[%scan3A_34, %dma_wait3A] : memref<80x128xi32, #tpu.memory_space<vmem>> -> memref<1x128xi32, #tpu.memory_space<vmem>>
        %dma_wait3A_42 = tpu.memref_squeeze %dma_wait3A_41 : memref<1x128xi32, #tpu.memory_space<vmem>> -> memref<128xi32, #tpu.memory_space<vmem>>
        %dma_wait3A_43 = arith.constant 0 : i32
        %dma_wait3A_44 = arith.constant 0 : i32
        %dma_wait3A_45 = tpu.memref_slice %arg3[%dma_wait3A_43, %dma_wait3A_44] : memref<10112x128xf32, #tpu.memory_space<hbm>> -> memref<10112x128xf32, #tpu.memory_space<hbm>>
        tpu.wait_indirect_dma semaphore(%arg12 : memref<!tpu.dma_semaphore, #tpu.memory_space<semaphore_mem>>) src(%dma_wait3A_45 : memref<10112x128xf32, #tpu.memory_space<hbm>>) dst(%arg10 : memref<128x128xf32, #tpu.memory_space<vmem>>)
        "tpu.region"() ({
          %run_scoped3A = tpu.sem_alloc : memref<!tpu.dma_semaphore, #tpu.memory_space<semaphore_mem>>
          %dma_start3A_47 = arith.constant 0 : i32
          %dma_start3A_48 = tpu.memref_slice %arg9[%scan3A_34, %dma_start3A_47] : memref<80x128xi32, #tpu.memory_space<vmem>> -> memref<1x128xi32, #tpu.memory_space<vmem>>
          %dma_start3A_49 = tpu.memref_squeeze %dma_start3A_48 : memref<1x128xi32, #tpu.memory_space<vmem>> -> memref<128xi32, #tpu.memory_space<vmem>>
          %dma_start3A_50 = arith.constant 0 : i32
          %dma_start3A_51 = arith.constant 0 : i32
          %dma_start3A_52 = tpu.memref_slice %arg11[%dma_start3A_50, %dma_start3A_51] : memref<10112x128xf32, #tpu.memory_space<vmem_shared>> -> memref<10112x128xf32, #tpu.memory_space<vmem_shared>>
          tpu.enqueue_indirect_dma source(%arg10 : memref<128x128xf32, #tpu.memory_space<vmem>>) target(%dma_start3A_52 : memref<10112x128xf32, #tpu.memory_space<vmem_shared>>) offsets(%dma_start3A_49 : memref<128xi32, #tpu.memory_space<vmem>>) semaphore(%run_scoped3A : memref<!tpu.dma_semaphore, #tpu.memory_space<semaphore_mem>>) {add = true}
          %dma_wait3A_53 = arith.constant 0 : i32
          %dma_wait3A_54 = tpu.memref_slice %arg9[%scan3A_34, %dma_wait3A_53] : memref<80x128xi32, #tpu.memory_space<vmem>> -> memref<1x128xi32, #tpu.memory_space<vmem>>
          %dma_wait3A_55 = tpu.memref_squeeze %dma_wait3A_54 : memref<1x128xi32, #tpu.memory_space<vmem>> -> memref<128xi32, #tpu.memory_space<vmem>>
          %dma_wait3A_56 = arith.constant 0 : i32
          %dma_wait3A_57 = arith.constant 0 : i32
          %dma_wait3A_58 = tpu.memref_slice %arg11[%dma_wait3A_56, %dma_wait3A_57] : memref<10112x128xf32, #tpu.memory_space<vmem_shared>> -> memref<10112x128xf32, #tpu.memory_space<vmem_shared>>
          tpu.wait_indirect_dma semaphore(%run_scoped3A : memref<!tpu.dma_semaphore, #tpu.memory_space<semaphore_mem>>) src(%arg10 : memref<128x128xf32, #tpu.memory_space<vmem>>) dst(%dma_wait3A_58 : memref<10112x128xf32, #tpu.memory_space<vmem_shared>>)
          tpu.yield
        }) : () -> ()
        %scan3A_46 = arith.constant 0 : i32
        scf.yield %scan3A_46 : i32
      }
      %scan3A_33 = arith.constant 80 : i32
    } else {
    }
    %barrier3A_17 = arith.constant 0 : index
    tpu.barrier barrier_id(%barrier3A_17)
    %eq3A_18 = arith.constant 0 : i32
    %eq3A_19 = arith.cmpi eq, %arg0, %eq3A_18 : i32
    %convert_element_type3A_20 = arith.extui %eq3A_19 : i1 to i32
    %cond3A_21 = arith.constant 0 : i32
    %cond3A_22 = arith.cmpi ne, %convert_element_type3A_20, %cond3A_21 : i32
    scf.if %cond3A_22 {
      %mul3A = arith.constant 632 : i32
      %mul3A_28 = arith.muli %arg1, %mul3A : i32
      %mul3A_29 = arith.constant 632 : i32
      %mul3A_30 = arith.muli %arg1, %mul3A_29 : i32
      "tpu.region"() ({
        %run_scoped3A = tpu.sem_alloc : memref<!tpu.dma_semaphore, #tpu.memory_space<semaphore_mem>>
        %dma_start3A = arith.constant 0 : i32
        %dma_start3A_31 = tpu.memref_slice %arg6[%mul3A_30, %dma_start3A] : memref<10112x128xf32, #tpu.memory_space<hbm>> -> memref<632x128xf32, #tpu.memory_space<hbm>>
        %dma_start3A_32 = arith.constant 0 : i32
        %dma_start3A_33 = tpu.memref_slice %arg11[%mul3A_28, %dma_start3A_32] : memref<10112x128xf32, #tpu.memory_space<vmem_shared>> -> memref<632x128xf32, #tpu.memory_space<vmem_shared>>
        tpu.enqueue_dma source(%dma_start3A_33 : memref<632x128xf32, #tpu.memory_space<vmem_shared>>) target(%dma_start3A_31 : memref<632x128xf32, #tpu.memory_space<hbm>>) target_semaphore(%run_scoped3A : memref<!tpu.dma_semaphore, #tpu.memory_space<semaphore_mem>>)
        %dma_wait3A = arith.constant 0 : i32
        %dma_wait3A_34 = tpu.memref_slice %arg6[%mul3A_30, %dma_wait3A] : memref<10112x128xf32, #tpu.memory_space<hbm>> -> memref<632x128xf32, #tpu.memory_space<hbm>>
        %dma_wait3A_35 = arith.constant 0 : i32
        %dma_wait3A_36 = tpu.memref_slice %arg11[%mul3A_28, %dma_wait3A_35] : memref<10112x128xf32, #tpu.memory_space<vmem_shared>> -> memref<632x128xf32, #tpu.memory_space<vmem_shared>>
        tpu.wait_dma2 semaphore(%run_scoped3A : memref<!tpu.dma_semaphore, #tpu.memory_space<semaphore_mem>>) src(%dma_wait3A_36 : memref<632x128xf32, #tpu.memory_space<vmem_shared>>) dst(%dma_wait3A_34 : memref<632x128xf32, #tpu.memory_space<hbm>>)
        tpu.yield
      }) : () -> ()
    } else {
    }
    %eq3A_23 = arith.constant 1 : i32
    %eq3A_24 = arith.cmpi eq, %arg0, %eq3A_23 : i32
    %convert_element_type3A_25 = arith.extui %eq3A_24 : i1 to i32
    %cond3A_26 = arith.constant 0 : i32
    %cond3A_27 = arith.cmpi ne, %convert_element_type3A_25, %cond3A_26 : i32
    scf.if %cond3A_27 {
      %mul3A = arith.constant 632 : i32
      %mul3A_28 = arith.muli %arg1, %mul3A : i32
      %mul3A_29 = arith.constant 632 : i32
      %mul3A_30 = arith.muli %arg1, %mul3A_29 : i32
      "tpu.region"() ({
        %run_scoped3A = tpu.sem_alloc : memref<!tpu.dma_semaphore, #tpu.memory_space<semaphore_mem>>
        %dma_start3A = arith.constant 0 : i32
        %dma_start3A_31 = tpu.memref_slice %arg7[%mul3A_30, %dma_start3A] : memref<10112x128xf32, #tpu.memory_space<hbm>> -> memref<632x128xf32, #tpu.memory_space<hbm>>
        %dma_start3A_32 = arith.constant 0 : i32
        %dma_start3A_33 = tpu.memref_slice %arg11[%mul3A_28, %dma_start3A_32] : memref<10112x128xf32, #tpu.memory_space<vmem_shared>> -> memref<632x128xf32, #tpu.memory_space<vmem_shared>>
        tpu.enqueue_dma source(%dma_start3A_33 : memref<632x128xf32, #tpu.memory_space<vmem_shared>>) target(%dma_start3A_31 : memref<632x128xf32, #tpu.memory_space<hbm>>) target_semaphore(%run_scoped3A : memref<!tpu.dma_semaphore, #tpu.memory_space<semaphore_mem>>)
        %dma_wait3A = arith.constant 0 : i32
        %dma_wait3A_34 = tpu.memref_slice %arg7[%mul3A_30, %dma_wait3A] : memref<10112x128xf32, #tpu.memory_space<hbm>> -> memref<632x128xf32, #tpu.memory_space<hbm>>
        %dma_wait3A_35 = arith.constant 0 : i32
        %dma_wait3A_36 = tpu.memref_slice %arg11[%mul3A_28, %dma_wait3A_35] : memref<10112x128xf32, #tpu.memory_space<vmem_shared>> -> memref<632x128xf32, #tpu.memory_space<vmem_shared>>
        tpu.wait_dma2 semaphore(%run_scoped3A : memref<!tpu.dma_semaphore, #tpu.memory_space<semaphore_mem>>) src(%dma_wait3A_36 : memref<632x128xf32, #tpu.memory_space<vmem_shared>>) dst(%dma_wait3A_34 : memref<632x128xf32, #tpu.memory_space<hbm>>)
        tpu.yield
      }) : () -> ()
    } else {
    }
    return
  }
}

module attributes {stable_mosaic.version = 14 : i64} {
  func.func @_tc_proj1_body(%arg0: i32, %arg1: memref<632x256xf32, #tpu.memory_space<vmem>>, %arg2: memref<256x256xf32, #tpu.memory_space<vmem>>, %arg3: memref<632x128xf32, #tpu.memory_space<vmem>>, %arg4: memref<632x128xf32, #tpu.memory_space<vmem>>, %arg5: memref<632x128xf32, #tpu.memory_space<vmem>>, %arg6: memref<632x128xf32, #tpu.memory_space<vmem>>, %arg7: memref<632x8xf32, #tpu.memory_space<vmem>>) attributes {dimension_semantics = [#tpu.dimension_semantics<arbitrary>], iteration_bounds = array<i64: 16>, scalar_prefetch = 0 : i64, scratch_operands = 0 : i64, tpu.core_type = #tpu.core_type<tc>, window_params = [{transform_indices = @transform_0, window_bounds = array<i64: 632, 256>}, {pipeline_mode = #tpu.pipeline_mode<synchronous>, transform_indices = @transform_1, window_bounds = array<i64: 256, 256>}, {transform_indices = @transform_2, window_bounds = array<i64: 632, 128>}, {transform_indices = @transform_3, window_bounds = array<i64: 632, 128>}, {transform_indices = @transform_4, window_bounds = array<i64: 632, 128>}, {transform_indices = @transform_5, window_bounds = array<i64: 632, 128>}, {transform_indices = @transform_6, window_bounds = array<i64: 632, 8>}]} {
    %get3A = arith.constant 0 : index
    %get3A_0 = arith.constant 0 : index
    %get3A_1 = vector.load %arg3[%get3A, %get3A_0] : memref<632x128xf32, #tpu.memory_space<vmem>>, vector<632x1xf32>
    %get3A_2 = arith.constant 0 : index
    %get3A_3 = arith.constant 0 : index
    %get3A_4 = vector.load %arg4[%get3A_2, %get3A_3] : memref<632x128xf32, #tpu.memory_space<vmem>>, vector<632x1xf32>
    %add3A = arith.addf %get3A_1, %get3A_4 : vector<632x1xf32>
    %add3A_5 = arith.constant 1.000000e+00 : f32
    %add3A_6 = vector.broadcast %add3A_5 : f32 to vector<632x1xf32>
    %add3A_7 = arith.addf %add3A, %add3A_6 : vector<632x1xf32>
    %rsqrt3A = math.rsqrt %add3A_7 : vector<632x1xf32>
    %get3A_8 = arith.constant 0 : index
    %get3A_9 = arith.constant 0 : index
    %get3A_10 = vector.load %arg1[%get3A_8, %get3A_9] : memref<632x256xf32, #tpu.memory_space<vmem>>, vector<632x256xf32>
    %get3A_11 = arith.constant 0 : index
    %get3A_12 = arith.constant 0 : index
    %get3A_13 = vector.load %arg2[%get3A_11, %get3A_12] : memref<256x256xf32, #tpu.memory_space<vmem>>, vector<256x256xf32>
    %dot_general3A = arith.constant dense<0.000000e+00> : vector<632x256xf32>
    %dot_general3A_14 = tpu.matmul %get3A_10, %get3A_13, %dot_general3A {dimension_numbers = #tpu.dot_dimension_numbers<[1], [0], [0], [1], [0, 0, 1, 1], [], []>, transpose_lhs_hint = false} : vector<632x256xf32>, vector<256x256xf32>, vector<632x256xf32> -> vector<632x256xf32>
    %mul3A = vector.broadcast %rsqrt3A : vector<632x1xf32> to vector<632x256xf32>
    %mul3A_15 = arith.mulf %dot_general3A_14, %mul3A : vector<632x256xf32>
    %slice3A = vector.extract_strided_slice %mul3A_15 {offsets = [0, 0], sizes = [632, 128], strides = [1, 1]} : vector<632x256xf32> to vector<632x128xf32>
    %swap3A = arith.constant 0 : index
    %swap3A_16 = arith.constant 0 : index
    %swap3A_17 = vector.load %arg5[%swap3A, %swap3A_16] : memref<632x128xf32, #tpu.memory_space<vmem>>, vector<632x128xf32>
    tpu.vector_store %arg5[%swap3A, %swap3A_16], %slice3A {strides = array<i32>} : memref<632x128xf32, #tpu.memory_space<vmem>>, vector<632x128xf32>,
    %slice3A_18 = vector.extract_strided_slice %mul3A_15 {offsets = [0, 128], sizes = [632, 128], strides = [1, 1]} : vector<632x256xf32> to vector<632x128xf32>
    %swap3A_19 = arith.constant 0 : index
    %swap3A_20 = arith.constant 0 : index
    %swap3A_21 = vector.load %arg6[%swap3A_19, %swap3A_20] : memref<632x128xf32, #tpu.memory_space<vmem>>, vector<632x128xf32>
    tpu.vector_store %arg6[%swap3A_19, %swap3A_20], %slice3A_18 {strides = array<i32>} : memref<632x128xf32, #tpu.memory_space<vmem>>, vector<632x128xf32>,
    %broadcast_in_dim3A = vector.shape_cast %rsqrt3A : vector<632x1xf32> to vector<632x1xf32>
    %broadcast_in_dim3A_22 = vector.broadcast %broadcast_in_dim3A : vector<632x1xf32> to vector<632x8xf32>
    %swap3A_23 = arith.constant 0 : index
    %swap3A_24 = arith.constant 0 : index
    %swap3A_25 = vector.load %arg7[%swap3A_23, %swap3A_24] : memref<632x8xf32, #tpu.memory_space<vmem>>, vector<632x8xf32>
    tpu.vector_store %arg7[%swap3A_23, %swap3A_24], %broadcast_in_dim3A_22 {strides = array<i32>} : memref<632x8xf32, #tpu.memory_space<vmem>>, vector<632x8xf32>,
    return
  }
  func.func @transform_0(%arg0: i32) -> (i32, i32) {
    %c0_i32 = arith.constant 0 : i32
    %c0_i32_0 = arith.constant 0 : i32
    return %arg0, %c0_i32 : i32, i32
  }
  func.func @transform_1(%arg0: i32) -> (i32, i32) {
    %c0_i32 = arith.constant 0 : i32
    %c0_i32_0 = arith.constant 0 : i32
    %c0_i32_1 = arith.constant 0 : i32
    return %c0_i32, %c0_i32_0 : i32, i32
  }
  func.func @transform_2(%arg0: i32) -> (i32, i32) {
    %c0_i32 = arith.constant 0 : i32
    %c0_i32_0 = arith.constant 0 : i32
    return %arg0, %c0_i32 : i32, i32
  }
  func.func @transform_3(%arg0: i32) -> (i32, i32) {
    %c0_i32 = arith.constant 0 : i32
    %c0_i32_0 = arith.constant 0 : i32
    return %arg0, %c0_i32 : i32, i32
  }
  func.func @transform_4(%arg0: i32) -> (i32, i32) {
    %c0_i32 = arith.constant 0 : i32
    %c0_i32_0 = arith.constant 0 : i32
    return %arg0, %c0_i32 : i32, i32
  }
  func.func @transform_5(%arg0: i32) -> (i32, i32) {
    %c0_i32 = arith.constant 0 : i32
    %c0_i32_0 = arith.constant 0 : i32
    return %arg0, %c0_i32 : i32, i32
  }
  func.func @transform_6(%arg0: i32) -> (i32, i32) {
    %c0_i32 = arith.constant 0 : i32
    %c0_i32_0 = arith.constant 0 : i32
    return %arg0, %c0_i32 : i32, i32
  }
}

module attributes {stable_mosaic.version = 14 : i64} {
  func.func @_tc_norm_proj2_body(%arg0: i32, %arg1: i32, %arg2: memref<1000x128xf32, #tpu.memory_space<vmem>>, %arg3: memref<1000x128xf32, #tpu.memory_space<vmem>>, %arg4: memref<1000x8xf32, #tpu.memory_space<vmem>>, %arg5: memref<1x256xf32, #tpu.memory_space<vmem>>, %arg6: memref<1x256xf32, #tpu.memory_space<vmem>>, %arg7: memref<1x256xf32, #tpu.memory_space<vmem>>, %arg8: memref<1x256xf32, #tpu.memory_space<vmem>>, %arg9: memref<256x256xf32, #tpu.memory_space<vmem>>, %arg10: memref<1000x128xf32, #tpu.memory_space<vmem>>, %arg11: memref<1000x128xf32, #tpu.memory_space<vmem>>, %arg12: memref<1x256xf32, #tpu.memory_space<vmem>>, %arg13: memref<1x256xf32, #tpu.memory_space<vmem>>) attributes {dimension_semantics = [#tpu.dimension_semantics<arbitrary>, #tpu.dimension_semantics<arbitrary>], iteration_bounds = array<i64: 2, 10>, scalar_prefetch = 0 : i64, scratch_operands = 2 : i64, tpu.core_type = #tpu.core_type<tc>, window_params = [{transform_indices = @transform_0, window_bounds = array<i64: 1000, 128>}, {transform_indices = @transform_1, window_bounds = array<i64: 1000, 128>}, {transform_indices = @transform_2, window_bounds = array<i64: 1000, 8>}, {pipeline_mode = #tpu.pipeline_mode<synchronous>, transform_indices = @transform_3, window_bounds = array<i64: 1, 256>}, {pipeline_mode = #tpu.pipeline_mode<synchronous>, transform_indices = @transform_4, window_bounds = array<i64: 1, 256>}, {pipeline_mode = #tpu.pipeline_mode<synchronous>, transform_indices = @transform_5, window_bounds = array<i64: 1, 256>}, {pipeline_mode = #tpu.pipeline_mode<synchronous>, transform_indices = @transform_6, window_bounds = array<i64: 1, 256>}, {pipeline_mode = #tpu.pipeline_mode<synchronous>, transform_indices = @transform_7, window_bounds = array<i64: 256, 256>}, {transform_indices = @transform_8, window_bounds = array<i64: 1000, 128>}, {transform_indices = @transform_9, window_bounds = array<i64: 1000, 128>}]} {
    %get3A = arith.constant 0 : index
    %get3A_0 = arith.constant 0 : index
    %get3A_1 = vector.load %arg2[%get3A, %get3A_0] : memref<1000x128xf32, #tpu.memory_space<vmem>>, vector<1000x128xf32>
    %get3A_2 = arith.constant 0 : index
    %get3A_3 = arith.constant 0 : index
    %get3A_4 = vector.load %arg3[%get3A_2, %get3A_3] : memref<1000x128xf32, #tpu.memory_space<vmem>>, vector<1000x128xf32>
    %concatenate3A = tpu.concatenate %get3A_1, %get3A_4 in 1 : vector<1000x128xf32>, vector<1000x128xf32> -> vector<1000x256xf32>
    %get3A_5 = arith.constant 0 : index
    %get3A_6 = arith.constant 0 : index
    %get3A_7 = vector.load %arg4[%get3A_5, %get3A_6] : memref<1000x8xf32, #tpu.memory_space<vmem>>, vector<1000x1xf32>
    %mul3A = vector.broadcast %get3A_7 : vector<1000x1xf32> to vector<1000x256xf32>
    %mul3A_8 = arith.mulf %concatenate3A, %mul3A : vector<1000x256xf32>
    %get3A_9 = arith.constant 0 : index
    %get3A_10 = arith.constant 0 : index
    %get3A_11 = vector.load %arg5[%get3A_9, %get3A_10] : memref<1x256xf32, #tpu.memory_space<vmem>>, vector<1x256xf32>
    %add3A = vector.broadcast %get3A_11 : vector<1x256xf32> to vector<1000x256xf32>
    %add3A_12 = arith.addf %mul3A_8, %add3A : vector<1000x256xf32>
    %eq3A = arith.constant 0 : i32
    %eq3A_13 = arith.cmpi eq, %arg0, %eq3A : i32
    %convert_element_type3A = arith.extui %eq3A_13 : i1 to i32
    %cond3A = arith.constant 0 : i32
    %cond3A_14 = arith.cmpi ne, %convert_element_type3A, %cond3A : i32
    scf.if %cond3A_14 {
      %reduce_sum3A = arith.constant dense<0.000000e+00> : vector<256xf32>
      %reduce_sum3A_20 = vector.multi_reduction <add>, %add3A_12, %reduce_sum3A [0] : vector<1000x256xf32> to vector<256xf32>
      %broadcast_in_dim3A = vector.shape_cast %reduce_sum3A_20 : vector<256xf32> to vector<1x256xf32>
      %mul3A_21 = arith.mulf %add3A_12, %add3A_12 : vector<1000x256xf32>
      %reduce_sum3A_22 = arith.constant dense<0.000000e+00> : vector<256xf32>
      %reduce_sum3A_23 = vector.multi_reduction <add>, %mul3A_21, %reduce_sum3A_22 [0] : vector<1000x256xf32> to vector<256xf32>
      %broadcast_in_dim3A_24 = vector.shape_cast %reduce_sum3A_23 : vector<256xf32> to vector<1x256xf32>
      %eq3A_25 = arith.constant 0 : i32
      %eq3A_26 = arith.cmpi eq, %arg1, %eq3A_25 : i32
      %convert_element_type3A_27 = arith.extui %eq3A_26 : i1 to i32
      %cond3A_28 = arith.constant 0 : i32
      %cond3A_29 = arith.cmpi ne, %convert_element_type3A_27, %cond3A_28 : i32
      scf.if %cond3A_29 {
        %swap3A = arith.constant 0 : index
        %swap3A_34 = arith.constant 0 : index
        %swap3A_35 = vector.load %arg12[%swap3A, %swap3A_34] : memref<1x256xf32, #tpu.memory_space<vmem>>, vector<1x256xf32>
        tpu.vector_store %arg12[%swap3A, %swap3A_34], %broadcast_in_dim3A {strides = array<i32>} : memref<1x256xf32, #tpu.memory_space<vmem>>, vector<1x256xf32>,
        %swap3A_36 = arith.constant 0 : index
        %swap3A_37 = arith.constant 0 : index
        %swap3A_38 = vector.load %arg13[%swap3A_36, %swap3A_37] : memref<1x256xf32, #tpu.memory_space<vmem>>, vector<1x256xf32>
        tpu.vector_store %arg13[%swap3A_36, %swap3A_37], %broadcast_in_dim3A_24 {strides = array<i32>} : memref<1x256xf32, #tpu.memory_space<vmem>>, vector<1x256xf32>,
      } else {
      }
      %gt3A = arith.constant 0 : i32
      %gt3A_30 = arith.cmpi sgt, %arg1, %gt3A : i32
      %convert_element_type3A_31 = arith.extui %gt3A_30 : i1 to i32
      %cond3A_32 = arith.constant 0 : i32
      %cond3A_33 = arith.cmpi ne, %convert_element_type3A_31, %cond3A_32 : i32
      scf.if %cond3A_33 {
        %get3A_34 = arith.constant 0 : index
        %get3A_35 = arith.constant 0 : index
        %get3A_36 = vector.load %arg12[%get3A_34, %get3A_35] : memref<1x256xf32, #tpu.memory_space<vmem>>, vector<1x256xf32>
        %add3A_37 = arith.addf %get3A_36, %broadcast_in_dim3A : vector<1x256xf32>
        %swap3A = arith.constant 0 : index
        %swap3A_38 = arith.constant 0 : index
        %swap3A_39 = vector.load %arg12[%swap3A, %swap3A_38] : memref<1x256xf32, #tpu.memory_space<vmem>>, vector<1x256xf32>
        tpu.vector_store %arg12[%swap3A, %swap3A_38], %add3A_37 {strides = array<i32>} : memref<1x256xf32, #tpu.memory_space<vmem>>, vector<1x256xf32>,
        %get3A_40 = arith.constant 0 : index
        %get3A_41 = arith.constant 0 : index
        %get3A_42 = vector.load %arg13[%get3A_40, %get3A_41] : memref<1x256xf32, #tpu.memory_space<vmem>>, vector<1x256xf32>
        %add3A_43 = arith.addf %get3A_42, %broadcast_in_dim3A_24 : vector<1x256xf32>
        %swap3A_44 = arith.constant 0 : index
        %swap3A_45 = arith.constant 0 : index
        %swap3A_46 = vector.load %arg13[%swap3A_44, %swap3A_45] : memref<1x256xf32, #tpu.memory_space<vmem>>, vector<1x256xf32>
        tpu.vector_store %arg13[%swap3A_44, %swap3A_45], %add3A_43 {strides = array<i32>} : memref<1x256xf32, #tpu.memory_space<vmem>>, vector<1x256xf32>,
      } else {
      }
    } else {
    }
    %eq3A_15 = arith.constant 1 : i32
    %eq3A_16 = arith.cmpi eq, %arg0, %eq3A_15 : i32
    %convert_element_type3A_17 = arith.extui %eq3A_16 : i1 to i32
    %cond3A_18 = arith.constant 0 : i32
    %cond3A_19 = arith.cmpi ne, %convert_element_type3A_17, %cond3A_18 : i32
    scf.if %cond3A_19 {
      %get3A_20 = arith.constant 0 : index
      %get3A_21 = arith.constant 0 : index
      %get3A_22 = vector.load %arg12[%get3A_20, %get3A_21] : memref<1x256xf32, #tpu.memory_space<vmem>>, vector<1x256xf32>
      %mul3A_23 = arith.constant 9.99999974E-5 : f32
      %mul3A_24 = vector.broadcast %mul3A_23 : f32 to vector<1x256xf32>
      %mul3A_25 = arith.mulf %get3A_22, %mul3A_24 : vector<1x256xf32>
      %get3A_26 = arith.constant 0 : index
      %get3A_27 = arith.constant 0 : index
      %get3A_28 = vector.load %arg13[%get3A_26, %get3A_27] : memref<1x256xf32, #tpu.memory_space<vmem>>, vector<1x256xf32>
      %mul3A_29 = arith.constant 9.99999974E-5 : f32
      %mul3A_30 = vector.broadcast %mul3A_29 : f32 to vector<1x256xf32>
      %mul3A_31 = arith.mulf %get3A_28, %mul3A_30 : vector<1x256xf32>
      %get3A_32 = arith.constant 0 : index
      %get3A_33 = arith.constant 0 : index
      %get3A_34 = vector.load %arg8[%get3A_32, %get3A_33] : memref<1x256xf32, #tpu.memory_space<vmem>>, vector<1x256xf32>
      %mul3A_35 = arith.constant 2.000000e+00 : f32
      %mul3A_36 = vector.broadcast %mul3A_35 : f32 to vector<1x256xf32>
      %mul3A_37 = arith.mulf %mul3A_36, %get3A_34 : vector<1x256xf32>
      %mul3A_38 = arith.mulf %get3A_34, %get3A_34 : vector<1x256xf32>
      %sub3A = arith.subf %mul3A_37, %mul3A_38 : vector<1x256xf32>
      %mul3A_39 = arith.mulf %sub3A, %mul3A_25 : vector<1x256xf32>
      %mul3A_40 = arith.mulf %mul3A_39, %mul3A_25 : vector<1x256xf32>
      %sub3A_41 = arith.subf %mul3A_31, %mul3A_40 : vector<1x256xf32>
      %mul3A_42 = arith.mulf %get3A_34, %mul3A_25 : vector<1x256xf32>
      %sub3A_43 = vector.broadcast %mul3A_42 : vector<1x256xf32> to vector<1000x256xf32>
      %sub3A_44 = arith.subf %add3A_12, %sub3A_43 : vector<1000x256xf32>
      %add3A_45 = arith.constant 9.99999974E-6 : f32
      %add3A_46 = vector.broadcast %add3A_45 : f32 to vector<1x256xf32>
      %add3A_47 = arith.addf %sub3A_41, %add3A_46 : vector<1x256xf32>
      %rsqrt3A = math.rsqrt %add3A_47 : vector<1x256xf32>
      %mul3A_48 = vector.broadcast %rsqrt3A : vector<1x256xf32> to vector<1000x256xf32>
      %mul3A_49 = arith.mulf %sub3A_44, %mul3A_48 : vector<1000x256xf32>
      %get3A_50 = arith.constant 0 : index
      %get3A_51 = arith.constant 0 : index
      %get3A_52 = vector.load %arg6[%get3A_50, %get3A_51] : memref<1x256xf32, #tpu.memory_space<vmem>>, vector<1x256xf32>
      %mul3A_53 = vector.broadcast %get3A_52 : vector<1x256xf32> to vector<1000x256xf32>
      %mul3A_54 = arith.mulf %mul3A_49, %mul3A_53 : vector<1000x256xf32>
      %get3A_55 = arith.constant 0 : index
      %get3A_56 = arith.constant 0 : index
      %get3A_57 = vector.load %arg7[%get3A_55, %get3A_56] : memref<1x256xf32, #tpu.memory_space<vmem>>, vector<1x256xf32>
      %add3A_58 = vector.broadcast %get3A_57 : vector<1x256xf32> to vector<1000x256xf32>
      %add3A_59 = arith.addf %mul3A_54, %add3A_58 : vector<1000x256xf32>
      %max3A = arith.constant 0.000000e+00 : f32
      %max3A_60 = vector.broadcast %max3A : f32 to vector<1000x256xf32>
      %max3A_61 = arith.maximumf %add3A_59, %max3A_60 : vector<1000x256xf32>
      %get3A_62 = arith.constant 0 : index
      %get3A_63 = arith.constant 0 : index
      %get3A_64 = vector.load %arg9[%get3A_62, %get3A_63] : memref<256x256xf32, #tpu.memory_space<vmem>>, vector<256x256xf32>
      %dot_general3A = arith.constant dense<0.000000e+00> : vector<1000x256xf32>
      %dot_general3A_65 = tpu.matmul %max3A_61, %get3A_64, %dot_general3A {dimension_numbers = #tpu.dot_dimension_numbers<[1], [0], [0], [1], [0, 0, 1, 1], [], []>, transpose_lhs_hint = false} : vector<1000x256xf32>, vector<256x256xf32>, vector<1000x256xf32> -> vector<1000x256xf32>
      %get3A_66 = arith.constant 0 : index
      %get3A_67 = arith.constant 0 : index
      %get3A_68 = vector.load %arg4[%get3A_66, %get3A_67] : memref<1000x8xf32, #tpu.memory_space<vmem>>, vector<1000x1xf32>
      %mul3A_69 = vector.broadcast %get3A_68 : vector<1000x1xf32> to vector<1000x256xf32>
      %mul3A_70 = arith.mulf %dot_general3A_65, %mul3A_69 : vector<1000x256xf32>
      %slice3A = vector.extract_strided_slice %mul3A_70 {offsets = [0, 0], sizes = [1000, 128], strides = [1, 1]} : vector<1000x256xf32> to vector<1000x128xf32>
      %swap3A = arith.constant 0 : index
      %swap3A_71 = arith.constant 0 : index
      %swap3A_72 = vector.load %arg10[%swap3A, %swap3A_71] : memref<1000x128xf32, #tpu.memory_space<vmem>>, vector<1000x128xf32>
      tpu.vector_store %arg10[%swap3A, %swap3A_71], %slice3A {strides = array<i32>} : memref<1000x128xf32, #tpu.memory_space<vmem>>, vector<1000x128xf32>,
      %slice3A_73 = vector.extract_strided_slice %mul3A_70 {offsets = [0, 128], sizes = [1000, 128], strides = [1, 1]} : vector<1000x256xf32> to vector<1000x128xf32>
      %swap3A_74 = arith.constant 0 : index
      %swap3A_75 = arith.constant 0 : index
      %swap3A_76 = vector.load %arg11[%swap3A_74, %swap3A_75] : memref<1000x128xf32, #tpu.memory_space<vmem>>, vector<1000x128xf32>
      tpu.vector_store %arg11[%swap3A_74, %swap3A_75], %slice3A_73 {strides = array<i32>} : memref<1000x128xf32, #tpu.memory_space<vmem>>, vector<1000x128xf32>,
    } else {
    }
    return
  }
  func.func @transform_0(%arg0: i32, %arg1: i32) -> (i32, i32) {
    %c0_i32 = arith.constant 0 : i32
    %c0_i32_0 = arith.constant 0 : i32
    return %arg1, %c0_i32 : i32, i32
  }
  func.func @transform_1(%arg0: i32, %arg1: i32) -> (i32, i32) {
    %c0_i32 = arith.constant 0 : i32
    %c0_i32_0 = arith.constant 0 : i32
    return %arg1, %c0_i32 : i32, i32
  }
  func.func @transform_2(%arg0: i32, %arg1: i32) -> (i32, i32) {
    %c0_i32 = arith.constant 0 : i32
    %c0_i32_0 = arith.constant 0 : i32
    return %arg1, %c0_i32 : i32, i32
  }
  func.func @transform_3(%arg0: i32, %arg1: i32) -> (i32, i32) {
    %c0_i32 = arith.constant 0 : i32
    %c0_i32_0 = arith.constant 0 : i32
    %c0_i32_1 = arith.constant 0 : i32
    return %c0_i32, %c0_i32_0 : i32, i32
  }
  func.func @transform_4(%arg0: i32, %arg1: i32) -> (i32, i32) {
    %c0_i32 = arith.constant 0 : i32
    %c0_i32_0 = arith.constant 0 : i32
    %c0_i32_1 = arith.constant 0 : i32
    return %c0_i32, %c0_i32_0 : i32, i32
  }
  func.func @transform_5(%arg0: i32, %arg1: i32) -> (i32, i32) {
    %c0_i32 = arith.constant 0 : i32
    %c0_i32_0 = arith.constant 0 : i32
    %c0_i32_1 = arith.constant 0 : i32
    return %c0_i32, %c0_i32_0 : i32, i32
  }
  func.func @transform_6(%arg0: i32, %arg1: i32) -> (i32, i32) {
    %c0_i32 = arith.constant 0 : i32
    %c0_i32_0 = arith.constant 0 : i32
    %c0_i32_1 = arith.constant 0 : i32
    return %c0_i32, %c0_i32_0 : i32, i32
  }
  func.func @transform_7(%arg0: i32, %arg1: i32) -> (i32, i32) {
    %c0_i32 = arith.constant 0 : i32
    %c0_i32_0 = arith.constant 0 : i32
    %c0_i32_1 = arith.constant 0 : i32
    return %c0_i32, %c0_i32_0 : i32, i32
  }
  func.func @transform_8(%arg0: i32, %arg1: i32) -> (i32, i32) {
    %c0_i32 = arith.constant 0 : i32
    %c0_i32_0 = arith.constant 0 : i32
    return %arg1, %c0_i32 : i32, i32
  }
  func.func @transform_9(%arg0: i32, %arg1: i32) -> (i32, i32) {
    %c0_i32 = arith.constant 0 : i32
    %c0_i32_0 = arith.constant 0 : i32
    return %arg1, %c0_i32 : i32, i32
  }
}

module attributes {stable_mosaic.version = 14 : i64} {
  func.func @_tc_final_body(%arg0: i32, %arg1: memref<1000x128xf32, #tpu.memory_space<vmem>>, %arg2: memref<1000x128xf32, #tpu.memory_space<vmem>>, %arg3: memref<1000x8xf32, #tpu.memory_space<vmem>>, %arg4: memref<1x256xf32, #tpu.memory_space<vmem>>, %arg5: memref<1000x256xf32, #tpu.memory_space<vmem>>) attributes {dimension_semantics = [#tpu.dimension_semantics<arbitrary>], iteration_bounds = array<i64: 10>, scalar_prefetch = 0 : i64, scratch_operands = 0 : i64, tpu.core_type = #tpu.core_type<tc>, window_params = [{transform_indices = @transform_0, window_bounds = array<i64: 1000, 128>}, {transform_indices = @transform_1, window_bounds = array<i64: 1000, 128>}, {transform_indices = @transform_2, window_bounds = array<i64: 1000, 8>}, {pipeline_mode = #tpu.pipeline_mode<synchronous>, transform_indices = @transform_3, window_bounds = array<i64: 1, 256>}, {transform_indices = @transform_4, window_bounds = array<i64: 1000, 256>}]} {
    %get3A = arith.constant 0 : index
    %get3A_0 = arith.constant 0 : index
    %get3A_1 = vector.load %arg1[%get3A, %get3A_0] : memref<1000x128xf32, #tpu.memory_space<vmem>>, vector<1000x128xf32>
    %get3A_2 = arith.constant 0 : index
    %get3A_3 = arith.constant 0 : index
    %get3A_4 = vector.load %arg2[%get3A_2, %get3A_3] : memref<1000x128xf32, #tpu.memory_space<vmem>>, vector<1000x128xf32>
    %concatenate3A = tpu.concatenate %get3A_1, %get3A_4 in 1 : vector<1000x128xf32>, vector<1000x128xf32> -> vector<1000x256xf32>
    %get3A_5 = arith.constant 0 : index
    %get3A_6 = arith.constant 0 : index
    %get3A_7 = vector.load %arg3[%get3A_5, %get3A_6] : memref<1000x8xf32, #tpu.memory_space<vmem>>, vector<1000x1xf32>
    %mul3A = vector.broadcast %get3A_7 : vector<1000x1xf32> to vector<1000x256xf32>
    %mul3A_8 = arith.mulf %concatenate3A, %mul3A : vector<1000x256xf32>
    %get3A_9 = arith.constant 0 : index
    %get3A_10 = arith.constant 0 : index
    %get3A_11 = vector.load %arg4[%get3A_9, %get3A_10] : memref<1x256xf32, #tpu.memory_space<vmem>>, vector<1x256xf32>
    %add3A = vector.broadcast %get3A_11 : vector<1x256xf32> to vector<1000x256xf32>
    %add3A_12 = arith.addf %mul3A_8, %add3A : vector<1000x256xf32>
    %swap3A = arith.constant 0 : index
    %swap3A_13 = arith.constant 0 : index
    %swap3A_14 = vector.load %arg5[%swap3A, %swap3A_13] : memref<1000x256xf32, #tpu.memory_space<vmem>>, vector<1000x256xf32>
    tpu.vector_store %arg5[%swap3A, %swap3A_13], %add3A_12 {strides = array<i32>} : memref<1000x256xf32, #tpu.memory_space<vmem>>, vector<1000x256xf32>,
    return
  }
  func.func @transform_0(%arg0: i32) -> (i32, i32) {
    %c0_i32 = arith.constant 0 : i32
    %c0_i32_0 = arith.constant 0 : i32
    return %arg0, %c0_i32 : i32, i32
  }
  func.func @transform_1(%arg0: i32) -> (i32, i32) {
    %c0_i32 = arith.constant 0 : i32
    %c0_i32_0 = arith.constant 0 : i32
    return %arg0, %c0_i32 : i32, i32
  }
  func.func @transform_2(%arg0: i32) -> (i32, i32) {
    %c0_i32 = arith.constant 0 : i32
    %c0_i32_0 = arith.constant 0 : i32
    return %arg0, %c0_i32 : i32, i32
  }
  func.func @transform_3(%arg0: i32) -> (i32, i32) {
    %c0_i32 = arith.constant 0 : i32
    %c0_i32_0 = arith.constant 0 : i32
    %c0_i32_1 = arith.constant 0 : i32
    return %c0_i32, %c0_i32_0 : i32, i32
  }
  func.func @transform_4(%arg0: i32) -> (i32, i32) {
    %c0_i32 = arith.constant 0 : i32
    %c0_i32_0 = arith.constant 0 : i32
    return %arg0, %c0_i32 : i32, i32
  }
}

</mosaic_0001>

<sc_bundles>
// kernel: kernel.11.cloned.1.call-start
scs
__scs_entry_jumppad:
0x0: {  	(pc) =	sbr.rel $0x88, $3  }
0x1: {  	(tag) =	ssettag $0x0;
	lr =	simm.s32 $0x1  }
0x2: {  	[smem:$0x3F98] =	sst lr;
	_ =	strace $0xD0000000  }
0x3: {  	_ = 	snop  }
0x4: {  	_ = 	snop  }
0x5: {  	_ = 	snop  }
0x6: {  	_ = 	snop  }
0x7: {  	_ = 	snop  }
__scs_overlays_trampoline_lowered:
0x8: {  	[smem:$0x3FA7] =	sst s0  }
0x9: {  	[smem:$0x3FA8] =	sst s1  }
0xa: {  	[smem:$0x3FA9] =	sst s2  }
0xb: {  	[smem:$0x3FAA] =	sst s3  }
0xc: {  	[smem:$0x3FAB] =	sst s4  }
0xd: {  	[smem:$0x3FAC] =	sst s5  }
0xe: {  	[smem:$0x3FAD] =	sst s6  }
0xf: {  	[smem:$0x3FAE] =	sst s7  }
0x10: {  	[smem:$0x3FAF] =	sst s8  }
0x11: {  	[smem:$0x3FB0] =	sst s9;
	s0 =	simm.s32 @!p0 $0x0  }
0x12: {  	s1 =	sld [smem:$0x3F96];
	s0 =	simm.s32 @p0 $0x1  }
0x13: {  	[smem:$0x3FB1] =	sst s0;
	s0 =	simm.s32 @!p1 $0x0  }
0x14: {  	s2 =	sld [smem:$0x3F95];
	s0 =	simm.s32 @p1 $0x1  }
0x15: {  	[smem:$0x3FB2] =	sst s0;
	s0 =	simm.s32 @!p2 $0x0  }
0x16: {  	s3 =	sld [smem:$0x3FDB];
	s0 =	simm.s32 @p2 $0x1  }
0x17: {  	s4 =	simm.s32 $0x1BF5;
	[smem:$0x3FB4] =	sst s0  }
0x18: {  	s0 =	sld [smem:$0x3F97];
	_ =	swait.ge [sflag:s4], $0x0  }
0x19: {  	s7 =	sld [smem:$0x3F98]  }
0x1a: {  	s8 =	sadd.s32 $0xFFFFE003, lr  }
0x1b: {  	s9 =	sadd.s32 $0xFFFFFEF7, lr;
	s5 =	simm.s32 $0xFFFFFFFF;
	p2 =	slt.u32 s8, $0xFFFFF086  }
0x1c: {  	p1 =	slt.u32 s9, $0xF7A;
	s5 =	simm.s32 @!p2 $0x0  }
0x1d: {  	s5 =	simm.s32 @p1 $0x1;
	p0 =	seq.s32 s7, s2  }
0x1e: {  	s7 =	smul.u32 @!p0 $0xF7A, s2;
	p2 =	seq.s32 @!p0 s5, $0x0  }
0x1f: {  	s9 =	smul.u32 $0xF7A, s1;
	s8 =	simm.s32 @!p0 $0x1BF5;
	p2 =	por !p2, p0  }
0x20: {  	[sflag:s8] =	ssyncset.s32 @!p0 $0xFFFFF086;
	s6 =	sadd.s32 @!p0 s3, s7;
	s7 =	simm.s32 @!p0 $0x108  }
0x21: {  	s3 =	sadd.s32 s3, s9;
	s6 =	sadd.s32 @!p0 $0x88, s6;
	s7 =	simm.s32 @p2 $0x1082  }
0x22: {  	[simem:s7], [sflag:s8] =	dma.local @!p0 [hbm:s6], $0xF7A  }
0x23: {  	s9 =	sor.u32 $0xD0000000, s2;
	s6 =	simm.s32 $0x108;
	_ =	swait.ge @!p0 [sflag:s8], $0x0  }
0x24: {  	s3 =	sadd.s32 $0x88, s3;
	s6 =	simm.s32 @!p1 $0x1082;
	[sflag:s4] =	ssyncset.s32 $0xFFFFF086  }
0x25: {  	[simem:s6], [sflag:s4] =	dma.local [hbm:s3], $0xF7A  }
0x26: {  	[smem:$0x3F98] =	sst s1;
	(tag) =	ssettag s2;
	_ =	strace s9  }
0x27: {  	s1 =	sld [smem:$0x3FA8]  }
0x28: {  	s2 =	sld [smem:$0x3FA9]  }
0x29: {  	s4 =	sld [smem:$0x3FAB]  }
0x2a: {  	p0 =	seq.s32 s5, $0x0;
	s5 =	sld [smem:$0x3FAC]  }
0x2b: {  	s6 =	sld [smem:$0x3FAD]  }
0x2c: {  	s7 =	sld [smem:$0x3FAE]  }
0x2d: {  	s3 =	simm.s32 $0x108;
	s8 =	sld [smem:$0x3FAF]  }
0x2e: {  	s3 =	simm.s32 @!p0 $0x1082;
	s9 =	sld [smem:$0x3FB0]  }
0x2f: {  	lr =	sadd.s32 s0, s3;
	s0 =	sld [smem:$0x3FA7]  }
0x30: {  	s3 =	sld [smem:$0x3FAA]  }
0x31: {  	[smem:$0x3FB3] =	sst s10  }
0x32: {  	s10 =	sld [smem:$0x3FB1];
	_ =	sdelay $0x3  }
0x33: {  	p0 =	seq.s32 s10, $0x1;
	s10 =	sld [smem:$0x3FB3];
	_ =	sdelay $0x3  }
0x34: {  	[smem:$0x3FB3] =	sst s10  }
0x35: {  	s10 =	sld [smem:$0x3FB2];
	_ =	sdelay $0x3  }
0x36: {  	p1 =	seq.s32 s10, $0x1;
	s10 =	sld [smem:$0x3FB3];
	_ =	sdelay $0x3  }
0x37: {  	[smem:$0x3FB3] =	sst s10  }
0x38: {  	s10 =	sld [smem:$0x3FB4]  }
0x39: {  	_ = 	snop;
	(pc) =	sbr.ind lr, $3  }
0x3a: {  	_ = 	snop  }
0x3b: {  	_ = 	snop  }
0x3c: {  	p2 =	seq.s32 s10, $0x1;
	s10 =	sld [smem:$0x3FB3]  }
0x3d: {  	_ =	shalt  }
0x3e: {  	_ =	shalt  }
0x3f: {  	_ =	shalt  }
0x40: {  	_ =	shalt  }
0x41: {  	_ =	shalt  }
0x42: {  	_ =	shalt  }
0x43: {  	_ =	shalt  }
0x44: {  	_ =	shalt  }
0x45: {  	_ =	shalt  }
0x46: {  	_ =	shalt  }
0x47: {  	_ =	shalt  }
0x48: {  	_ =	shalt  }
0x49: {  	_ =	shalt  }
0x4a: {  	_ =	shalt  }
0x4b: {  	_ =	shalt  }
0x4c: {  	_ =	shalt  }
0x4d: {  	_ =	shalt  }
0x4e: {  	_ =	shalt  }
0x4f: {  	_ =	shalt  }
0x50: {  	_ =	shalt  }
0x51: {  	_ =	shalt  }
0x52: {  	_ =	shalt  }
0x53: {  	_ =	shalt  }
0x54: {  	_ =	shalt  }
0x55: {  	_ =	shalt  }
0x56: {  	_ =	shalt  }
0x57: {  	_ =	shalt  }
0x58: {  	_ =	shalt  }
0x59: {  	_ =	shalt  }
0x5a: {  	_ =	shalt  }
0x5b: {  	_ =	shalt  }
0x5c: {  	_ =	shalt  }
0x5d: {  	_ =	shalt  }
0x5e: {  	_ =	shalt  }
0x5f: {  	_ =	shalt  }
0x60: {  	_ =	shalt  }
0x61: {  	_ =	shalt  }
0x62: {  	_ =	shalt  }
0x63: {  	_ =	shalt  }
0x64: {  	_ =	shalt  }
0x65: {  	_ =	shalt  }
0x66: {  	_ =	shalt  }
0x67: {  	_ =	shalt  }
0x68: {  	_ =	shalt  }
0x69: {  	_ =	shalt  }
0x6a: {  	_ =	shalt  }
0x6b: {  	_ =	shalt  }
0x6c: {  	_ =	shalt  }
0x6d: {  	_ =	shalt  }
0x6e: {  	_ =	shalt  }
0x6f: {  	_ =	shalt  }
0x70: {  	_ =	shalt  }
0x71: {  	_ =	shalt  }
0x72: {  	_ =	shalt  }
0x73: {  	_ =	shalt  }
0x74: {  	_ =	shalt  }
0x75: {  	_ =	shalt  }
0x76: {  	_ =	shalt  }
0x77: {  	_ =	shalt  }
0x78: {  	_ =	shalt  }
0x79: {  	_ =	shalt  }
0x7a: {  	_ =	shalt  }
0x7b: {  	_ =	shalt  }
0x7c: {  	_ =	shalt  }
0x7d: {  	_ =	shalt  }
0x7e: {  	_ =	shalt  }
0x7f: {  	_ =	shalt  }
0x80: {  	_ =	shalt  }
0x81: {  	_ =	shalt  }
0x82: {  	_ =	shalt  }
0x83: {  	_ =	shalt  }
0x84: {  	_ =	shalt  }
0x85: {  	_ =	shalt  }
0x86: {  	_ =	shalt  }
0x87: {  	_ =	shalt  }
.Lfunc_end0:
.L_simem_size_0:
called_computation.1_lowered:
.L_overlay_start_0:
0x88: {  	s2 =	sld [smem:$0x3FD9]  }
0x89: {  	s3 =	sld [smem:$0x3FFE];
	_ =	sdelay $0x1  }
0x8a: {  	s1 =	srdreg.scid  }
0x8b: {  	s0 =	sand.u32 $0x1, s1  }
0x8c: {  	s17 =	sshll.u32 s0, $0xA;
	s2 =	sadd.s32 s3, s2  }
0x8d: {  	s2 =	sadd.s32 s2, s17  }
0x8e: {  	[smem:$0x3FBF] =	sst s2  }
0x8f: {  	_ = 	snop  }
0x90: {  	s2 =	sld [smem:$0x3FD0];
	(tm) =	ssettm $0x1  }
0x91: {  	s18 =	sld [smem:$0x3FFB];
	_ =	sdelay $0x3  }
0x92: {  	_ =	strace s18  }
0x93: {  	s3 =	sld [smem:$0x3FFC];
	_ =	sdelay $0x3  }
0x94: {  	_ =	strace s3  }
0x95: {  	s3 =	sld [smem:$0x3FFD];
	_ =	sdelay $0x3  }
0x96: {  	_ =	strace s3  }
0x97: {  	_ =	strace $0x8FFFFFFF  }
0x98: {  	s19 =	sld [smem:$0x3FDB];
	_ =	sdelay $0x1  }
0x99: {  	s4 =	simm.s32 $_scs_section_size  }
0x9a: {  	s5 =	simm.s32 $_size__tile_overlayer_lowered;
	s6 =	simm.s32 $_tile_overlayer_lowered  }
0x9b: {  	s22 =	simm.s32 $0x1BFF;
	s21 =	sshll.u32 s6, $0x1;
	s3 =	sadd.s32 s4, s19  }
0x9c: {  	s7 =	simm.s32 $0x0;
	s20 =	sshll.u32 s5, $0x1;
	s5 =	sadd.s32 s21, s3  }
0x9d: {  	[timem:s7], [sflag:s22] =	dma.local [hbm:s5], s20  }
0x9e: {  	_ =	swait.ge [sflag:s22], s20  }
0x9f: {  	s4 =	ssub.s32 $0x0, s20;
	[sflag:s22] =	ssyncset.done $0x0  }
0xa0: {  	[sflag:s22] =	ssyncadd.s32 s4;
	_ =	sdelay $0x1  }
0xa1: {  	s23 =	simm.s32 $0x1B8B  }
0xa2: {  	_ =	swait.ge [sflag:s23], $0x1  }
0xa3: {  	[sflag:s23] =	ssyncset.done $0x0  }
0xa4: {  	s25 =	simm.s32 $0x1B8E;
	s24 =	sld [smem:$0x3FFE];
	[sflag:s23] =	ssyncadd.s32 $0xFFFFFFFF  }
0xa5: {  	s26 =	simm.s32 $execute0_lowered;
	[smem:$0x3FD2] =	sst s25  }
0xa6: {  	s5 =	sshll.u32 s26, $0x1;
	_ =	strace $0x80000049;
	[dreg:$0x1] =	wrdreg $0xFFFFFFFF  }
0xa7: {  	s28 =	simm.s32 $_size_execute0_lowered;
	s3 =	sadd.s32 s3, s5;
	[dreg:$0x0] =	wrdreg $0x0  }
0xa8: {  	s5 =	sshll.u32 s28, $0x1;
	[dreg:$0x2] =	wrdreg s3  }
0xa9: {  	[dreg:$0x3] =	wrdreg s5  }
0xaa: {  	[dreg:$0x4] =	wrdreg $0xC0  }
0xab: {  	_ =	task [dreg:s7], $0x5FFFF  }
0xac: {  	[dreg:$0x1] =	wrdreg $0xFFFFFFFF  }
0xad: {  	[dreg:$0x0] =	wrdreg $0x60  }
0xae: {  	[dreg:$0x2] =	wrdreg s2  }
0xaf: {  	[dreg:$0x3] =	wrdreg s24  }
0xb0: {  	[dreg:$0x4] =	wrdreg $0x90000  }
0xb1: {  	[dreg:$0x5] =	wrdreg $0x9  }
0xb2: {  	_ =	task.clear_ibuf [dreg:s7], $0x6FFFF;
	_ =	strace $0x90000049  }
0xb3: {  	s29 =	simm.s32 $0x9;
	_ =	strace $0x8000004B  }
0xb4: {  	_ =	swait.ge [sflag:s29], $0x1  }
0xb5: {  	[sflag:s29] =	ssyncadd.s32 $0xFFFFFFFF  }
0xb6: {  	_ =	strace $0x9000004B  }
0xb7: {  	_ =	sfence  }
0xb8: {  	s30 =	sld [smem:$0x0];
	_ =	sdelay $0x2  }
0xb9: {  	s31 =	sshll.u32 s1, $0xD;
	s1 =	sshrl.u32 s1, $0x2  }
0xba: {  	s3 =	sand.u32 $0x4000, s31;
	s1 =	sadd.s32 s1, s30  }
0xbb: {  	s0 =	sor.u32 s3, s0;
	s1 =	sshll.u32 s1, $0x11  }
0xbc: {  	s0 =	sor.u32 s1, s0  }
0xbd: {  	s0 =	sadd.s32 $0x8F2B, s0  }
0xbe: {  	[sflag:s0] =	ssyncadd.remote.s32 $0x1  }
0xbf: {  	_ =	sfence.sel $0xFFFF  }
0xc0: {  	[dreg:$0x0] =	wrdreg $0xFFFFFFFF;
	(pc) =	sbr.abs _section_cstart, $3  }
0xc1: {  	[dreg:$0x1] =	wrdreg $0xFFFFFFFF  }
0xc2: {  	_ =	task.clear_ibuf [dreg:s7], $0x2FFFF;
	_ =	strace $0x9FFFFFFF  }
0xc3: {  	(tm) =	ssettm $0x7FFFFFFF  }
tec
execute0_lowered:
.L_overlay_start_1:
0x0: {  	(tag) =	ssettag $0x1  }
0x1: {  	s1 =	rddreg [dreg:$0x0]  }
0x2: {  	s8 =	rddreg [dreg:$0x1]  }
0x3: {  	s3 =	rddreg [dreg:$0x2]  }
0x4: {  	s0 =	rddreg [dreg:$0x3];
	s4 =	simm.s32 $0x0  }
0x5: {  	s2 =	stileid.u32;
	s7 =	srdreg.scid;
	s16 =	simm.s32 $0x1  }
0x6: {  	s17 =	simm.s32 $0x2800;
	s18 =	simm.s32 $0x80;
	s19 =	simm.s32 $0x5000  }
0x7: {  	s20 =	simm.s32 $0x2;
	[smem:$0x7FF] =	sst s4;
	s6 =	smul.u32 $0x500, s2  }
0x8: {  	s5 =	sadd.s32 $0x8200, s8;
	s14 =	sand.u32 $0x1, s7;
	s31 =	smul.u32 $0x4F000, s2  }
0x9: {  	s7 =	smul.u32 $0x2780, s2;
	s21 =	sshll.u32 s2, $0x6;
	_ =	strace $0x8000004A  }
0xa: {  	s9 =	ssub.s32 $0x2, s14;
	p0 =	sne.s32 s14, $0x0;
	s14 =	sor.u32 $0x1C01, s21  }
.Ltmp0:
0xb: {  	s21 =	sor.u32 $0x1C02, s21;
	s11 =	sadd.s32 s6, s8;
	(pc) =	sbr.rel .LBB2_1-.Ltmp0, $4  }
0xc: {  	s6 =	sadd.s32 $0x37A00, s8;
	s10 =	sshrl.u32 s9, $0x1;
	s12 =	sshrl.u32 s31, $0x2  }
0xd: {  	s8 =	sadd.s32 $0x5F200, s8;
	s13 =	ssub.s32 s9, s10;
	s15 =	sadd.s32 s12, s3  }
0xe: {  	s9 =	sadd.s32 s5, s7;
	s10 =	sadd.s32 $0x32A00, s11;
	s11 =	sadd.s32 $0x3200, s11  }
0xf: {  	s12 =	sadd.s32 s1, s7;
	s13 =	smax.u32 s13, $0x1;
	s15 =	sshrl.u32 s15, $0x3  }
.LBB2_7:
0x10: {  	s22 =	sshra.s32 s22, $0x2;
	[sflag:s20] =	ssyncadd.s32 $0xFFFFC000  }
0x11: {  	[tilespmem:s19], [sflag:$0x1] =	stream.indirect.gather [hbm4b:s5+s18], $0x80, s22, s18, $0xb8;
	[tilespmem:$0x1CC00] =	vst v63  }
0x12: {  	_ =	swait.ge [sflag:s16], $0x4000  }
0x13: {  	[sflag:s16] =	ssyncset.done $0x0  }
0x14: {  	s22 =	sadd.s32 $0x2800, s22;
	[sflag:s16] =	ssyncadd.s32 $0xFFFFC000  }
0x15: {  	[spmem:s3] =	stream.indirect.scatter.add.f32 [tilespmem:s19], [sflag:$0x2], $0x80, s22, s18, $0xb8;
	[tilespmem:$0x1CC00] =	vst v63  }
0x16: {  	_ =	swait.ge [sflag:s20], $0x4000  }
0x17: {  	[sflag:s20] =	ssyncset.done $0x0  }
0x18: {  	[sflag:s20] =	ssyncadd.s32 $0xFFFFC000  }
0x19: {  	s22 =	smov.u32 s8;
	[bflag:$0x0] =	sbarrier.arrive $0xFFFF  }
.LBB2_8:
0x1a: {  	s4 =	sadd.s32 $0x1, s4  }
0x1b: {  	p1 =	sne.s32 s4, s13  }
.Ltmp1:
0x1c: {  	s22 =	sadd.s32 s22, s7;
	(pc) =	sbr.rel @!p1 .LBB2_9-.Ltmp1, $4  }
0x1d: {  	[hbm:s22], [sflag:s21] =	dma.local [spmem:s15], $0x2780  }
0x1e: {  	_ =	swait.ge [sflag:s20], $0x2780  }
0x1f: {  	[sflag:s20] =	ssyncset.done $0x0  }
0x20: {  	[sflag:s20] =	ssyncadd.s32 $0xFFFFD880  }
.LBB2_1:
.Ltmp2:
0x21: {  	(pc) =	sbr.rel @p0 .LBB2_5-.Ltmp2, $1  }
0x22: {  	_ =	sdelay $0x3  }
0x23: {  	[spmem:s15], [sflag:s14] =	dma.local [hbm:s12], $0x2780  }
0x24: {  	_ =	swait.ge [sflag:s16], $0x2780  }
0x25: {  	[sflag:s16] =	ssyncset.done $0x0  }
0x26: {  	s22 =	simm.s32 $0x0;
	[sflag:s16] =	ssyncadd.s32 $0xFFFFD880  }
0x27: {  	[tilespmem:s22], [sflag:$0x1] =	stream.linear.gather [hbm4b:s10+s22], $0x2800, $0x38;
	[tilespmem:$0x1CC00] =	vst v63  }
0x28: {  	_ =	swait.ge [sflag:s16], $0x2800  }
0x29: {  	[sflag:s16] =	ssyncset.done $0x0  }
0x2a: {  	[sflag:s16] =	ssyncadd.s32 $0xFFFFD800  }
0x2b: {  	[tilespmem:s17], [sflag:$0x1] =	stream.linear.gather [hbm4b:s11+s22], $0x2800, $0x38;
	[tilespmem:$0x1CC00] =	vst v63  }
0x2c: {  	_ =	swait.ge [sflag:s16], $0x2800  }
0x2d: {  	[sflag:s16] =	ssyncset.done $0x0  }
0x2e: {  	[sflag:s16] =	ssyncadd.s32 $0xFFFFD800  }
0x2f: {  	s30 =	simm.s32 $0x0;
	[bflag:$0x0] =	sbarrier.arrive $0xFFFF  }
0x30: {  	[tilespmem:s19], [sflag:$0x1] =	stream.indirect.gather [hbm4b:s1+s18], $0x80, s30, s18, $0xb8;
	[tilespmem:$0x1CC00] =	vst v63  }
0x31: {  	_ =	swait.ge [sflag:s16], $0x4000  }
0x32: {  	[sflag:s16] =	ssyncset.done $0x0  }
0x33: {  	s31 =	simm.s32 $0x2800;
	[sflag:s16] =	ssyncadd.s32 $0xFFFFC000  }
0x34: {  	[spmem:s3] =	stream.indirect.scatter.add.f32 [tilespmem:s19], [sflag:$0x2], $0x80, s31, s18, $0xb8;
	[tilespmem:$0x1CC00] =	vst v63  }
0x35: {  	_ =	swait.ge [sflag:s20], $0x4000  }
0x36: {  	s23 =	simm.s32 $0x400;
	s22 =	simm.s32 $0x200;
	[sflag:s20] =	ssyncset.done $0x0  }
.LBB2_3:
0x37: {  	s24 =	sshra.s32 s22, $0x2  }
0x38: {  	[sflag:s20] =	ssyncadd.s32 $0xFFFFC000;
	s22 =	smov.u32 s23;
	s25 =	sadd.s32 $0x200, s23  }
0x39: {  	[tilespmem:s19], [sflag:$0x1] =	stream.indirect.gather [hbm4b:s1+s18], $0x80, s24, s18, $0xb8;
	[tilespmem:$0x1CC00] =	vst v63  }
0x3a: {  	p1 =	seq.s32 s23, $0x9E00;
	_ =	swait.ge [sflag:s16], $0x4000  }
.Ltmp3:
0x3b: {  	[sflag:s16] =	ssyncset.done $0x0;
	(pc) =	sbr.rel @!p1 .LBB2_3-.Ltmp3, $4  }
0x3c: {  	s23 =	sadd.s32 $0x2800, s24;
	[sflag:s16] =	ssyncadd.s32 $0xFFFFC000  }
0x3d: {  	[spmem:s3] =	stream.indirect.scatter.add.f32 [tilespmem:s19], [sflag:$0x2], $0x80, s23, s18, $0xb8;
	[tilespmem:$0x1CC00] =	vst v63  }
0x3e: {  	_ =	swait.ge [sflag:s20], $0x4000  }
0x3f: {  	s23 =	smov.u32 s25;
	[sflag:s20] =	ssyncset.done $0x0  }
0x40: {  	s22 =	sshra.s32 s22, $0x2;
	[sflag:s20] =	ssyncadd.s32 $0xFFFFC000  }
0x41: {  	[tilespmem:s19], [sflag:$0x1] =	stream.indirect.gather [hbm4b:s1+s18], $0x80, s22, s18, $0xb8;
	[tilespmem:$0x1CC00] =	vst v63  }
0x42: {  	_ =	swait.ge [sflag:s16], $0x4000  }
0x43: {  	[sflag:s16] =	ssyncset.done $0x0  }
0x44: {  	s22 =	sadd.s32 $0x2800, s22;
	[sflag:s16] =	ssyncadd.s32 $0xFFFFC000  }
0x45: {  	[spmem:s3] =	stream.indirect.scatter.add.f32 [tilespmem:s19], [sflag:$0x2], $0x80, s22, s18, $0xb8;
	[tilespmem:$0x1CC00] =	vst v63  }
.Ltmp4:
0x46: {  	_ =	swait.ge [sflag:s20], $0x4000;
	(pc) =	sbr.rel .LBB2_8-.Ltmp4, $4  }
0x47: {  	[sflag:s20] =	ssyncset.done $0x0  }
0x48: {  	[sflag:s20] =	ssyncadd.s32 $0xFFFFC000  }
0x49: {  	[bflag:$0x0] =	sbarrier.arrive $0xFFFF  }
0x4a: {  	s22 =	smov.u32 s6  }
.LBB2_5:
0x4b: {  	[spmem:s15], [sflag:s14] =	dma.local [hbm:s9], $0x2780  }
0x4c: {  	_ =	swait.ge [sflag:s16], $0x2780  }
0x4d: {  	[sflag:s16] =	ssyncset.done $0x0  }
0x4e: {  	s22 =	simm.s32 $0x0;
	[sflag:s16] =	ssyncadd.s32 $0xFFFFD880  }
0x4f: {  	[tilespmem:s22], [sflag:$0x1] =	stream.linear.gather [hbm4b:s10+s22], $0x2800, $0x38;
	[tilespmem:$0x1CC00] =	vst v63  }
0x50: {  	_ =	swait.ge [sflag:s16], $0x2800  }
0x51: {  	[sflag:s16] =	ssyncset.done $0x0  }
0x52: {  	[sflag:s16] =	ssyncadd.s32 $0xFFFFD800  }
0x53: {  	[tilespmem:s17], [sflag:$0x1] =	stream.linear.gather [hbm4b:s11+s22], $0x2800, $0x38;
	[tilespmem:$0x1CC00] =	vst v63  }
0x54: {  	_ =	swait.ge [sflag:s16], $0x2800  }
0x55: {  	[sflag:s16] =	ssyncset.done $0x0  }
0x56: {  	[sflag:s16] =	ssyncadd.s32 $0xFFFFD800  }
0x57: {  	s30 =	simm.s32 $0x0;
	[bflag:$0x0] =	sbarrier.arrive $0xFFFF  }
0x58: {  	[tilespmem:s19], [sflag:$0x1] =	stream.indirect.gather [hbm4b:s5+s18], $0x80, s30, s18, $0xb8;
	[tilespmem:$0x1CC00] =	vst v63  }
0x59: {  	_ =	swait.ge [sflag:s16], $0x4000  }
0x5a: {  	[sflag:s16] =	ssyncset.done $0x0  }
0x5b: {  	s31 =	simm.s32 $0x2800;
	[sflag:s16] =	ssyncadd.s32 $0xFFFFC000  }
0x5c: {  	[spmem:s3] =	stream.indirect.scatter.add.f32 [tilespmem:s19], [sflag:$0x2], $0x80, s31, s18, $0xb8;
	[tilespmem:$0x1CC00] =	vst v63  }
0x5d: {  	_ =	swait.ge [sflag:s20], $0x4000  }
0x5e: {  	s23 =	simm.s32 $0x400;
	s22 =	simm.s32 $0x200;
	[sflag:s20] =	ssyncset.done $0x0  }
.LBB2_6:
0x5f: {  	s24 =	sshra.s32 s22, $0x2  }
0x60: {  	[sflag:s20] =	ssyncadd.s32 $0xFFFFC000;
	s22 =	smov.u32 s23;
	s25 =	sadd.s32 $0x200, s23  }
0x61: {  	[tilespmem:s19], [sflag:$0x1] =	stream.indirect.gather [hbm4b:s5+s18], $0x80, s24, s18, $0xb8;
	[tilespmem:$0x1CC00] =	vst v63  }
0x62: {  	p1 =	sne.s32 s23, $0x9E00;
	_ =	swait.ge [sflag:s16], $0x4000  }
.Ltmp5:
0x63: {  	[sflag:s16] =	ssyncset.done $0x0;
	(pc) =	sbr.rel @p1 .LBB2_6-.Ltmp5, $4  }
0x64: {  	s23 =	sadd.s32 $0x2800, s24;
	[sflag:s16] =	ssyncadd.s32 $0xFFFFC000  }
0x65: {  	[spmem:s3] =	stream.indirect.scatter.add.f32 [tilespmem:s19], [sflag:$0x2], $0x80, s23, s18, $0xb8;
	[tilespmem:$0x1CC00] =	vst v63  }
0x66: {  	_ =	swait.ge [sflag:s20], $0x4000  }
0x67: {  	s23 =	smov.u32 s25;
	[sflag:s20] =	ssyncset.done $0x0  }
.Ltmp6:
0x68: {  	_ = 	snop;
	(pc) =	sbr.rel .LBB2_7-.Ltmp6, $1  }
0x69: {  	_ =	sdelay $0x3  }
.LBB2_9:
0x6a: {  	_ =	sfence.sel $0x180000  }
0x6b: {  	[bflag:$0x0] =	sbarrier.arrive $0xFFFF  }
0x6c: {  	p0 =	sne.s32 s2, $0x0;
	_ =	strace $0x9000004A  }
0x6d: {  	s0 =	sadd.s32 @!p0 $0x100000, s0;
	[bflag:$0x2] =	sbarrier.arrive $0xFFFF  }
0x6e: {  	[sflag:s0] =	ssyncadd.tile.s32 @!p0 $0x1;
	_ =	shalt  }
.Lfunc_end2:
_tile_overlayer_lowered:
.L_overlay_start_2:
0x6f: {  	(tag) =	ssettag $0x2  }
0x70: {  	s0 =	rddreg [dreg:$0x0];
	s2 =	stileid.u32  }
0x71: {  	s1 =	rddreg [dreg:$0x1];
	p0 =	sne.s32 s2, $0x0  }
0x72: {  	s3 =	rddreg [dreg:$0x2];
	[bflag:$0x3] =	sbarrier.arrive $0xFFFF;
	s2 =	simm.s32 @!p0 $0x1C02  }
0x73: {  	[timem:s3], [sflag:s2] =	dma.local @!p0 [hbm:s0], s1  }
0x74: {  	s0 =	simm.s32 @!p0 $0x2  }
0x75: {  	_ =	swait.ge @!p0 [sflag:s0], s1  }
0x76: {  	s1 =	ssub.s32 @!p0 $0x0, s1;
	[sflag:s0] =	ssyncset.done @!p0 $0x0  }
0x77: {  	[sflag:s0] =	ssyncadd.s32 @!p0 s1  }
0x78: {  	[bflag:$0x3] =	sbarrier.arrive $0xFFFF  }
0x79: {  	_ =	shalt  }

// kernel: kernel.14.cloned.1.call-start
scs
__scs_entry_jumppad:
0x0: {  	(pc) =	sbr.rel $0x88, $3  }
0x1: {  	(tag) =	ssettag $0x0;
	lr =	simm.s32 $0x1  }
0x2: {  	[smem:$0x3F98] =	sst lr;
	_ =	strace $0xD0000000  }
0x3: {  	_ = 	snop  }
0x4: {  	_ = 	snop  }
0x5: {  	_ = 	snop  }
0x6: {  	_ = 	snop  }
0x7: {  	_ = 	snop  }
__scs_overlays_trampoline_lowered:
0x8: {  	[smem:$0x3FA7] =	sst s0  }
0x9: {  	[smem:$0x3FA8] =	sst s1  }
0xa: {  	[smem:$0x3FA9] =	sst s2  }
0xb: {  	[smem:$0x3FAA] =	sst s3  }
0xc: {  	[smem:$0x3FAB] =	sst s4  }
0xd: {  	[smem:$0x3FAC] =	sst s5  }
0xe: {  	[smem:$0x3FAD] =	sst s6  }
0xf: {  	[smem:$0x3FAE] =	sst s7  }
0x10: {  	[smem:$0x3FAF] =	sst s8  }
0x11: {  	[smem:$0x3FB0] =	sst s9;
	s0 =	simm.s32 @!p0 $0x0  }
0x12: {  	s1 =	sld [smem:$0x3F96];
	s0 =	simm.s32 @p0 $0x1  }
0x13: {  	[smem:$0x3FB1] =	sst s0;
	s0 =	simm.s32 @!p1 $0x0  }
0x14: {  	s2 =	sld [smem:$0x3F95];
	s0 =	simm.s32 @p1 $0x1  }
0x15: {  	[smem:$0x3FB2] =	sst s0;
	s0 =	simm.s32 @!p2 $0x0  }
0x16: {  	s3 =	sld [smem:$0x3FDB];
	s0 =	simm.s32 @p2 $0x1  }
0x17: {  	s4 =	simm.s32 $0x1BF5;
	[smem:$0x3FB4] =	sst s0  }
0x18: {  	s0 =	sld [smem:$0x3F97];
	_ =	swait.ge [sflag:s4], $0x0  }
0x19: {  	s7 =	sld [smem:$0x3F98]  }
0x1a: {  	s8 =	sadd.s32 $0xFFFFE003, lr  }
0x1b: {  	s9 =	sadd.s32 $0xFFFFFEF7, lr;
	s5 =	simm.s32 $0xFFFFFFFF;
	p2 =	slt.u32 s8, $0xFFFFF086  }
0x1c: {  	p1 =	slt.u32 s9, $0xF7A;
	s5 =	simm.s32 @!p2 $0x0  }
0x1d: {  	s5 =	simm.s32 @p1 $0x1;
	p0 =	seq.s32 s7, s2  }
0x1e: {  	s7 =	smul.u32 @!p0 $0xF7A, s2;
	p2 =	seq.s32 @!p0 s5, $0x0  }
0x1f: {  	s9 =	smul.u32 $0xF7A, s1;
	s8 =	simm.s32 @!p0 $0x1BF5;
	p2 =	por !p2, p0  }
0x20: {  	[sflag:s8] =	ssyncset.s32 @!p0 $0xFFFFF086;
	s6 =	sadd.s32 @!p0 s3, s7;
	s7 =	simm.s32 @!p0 $0x108  }
0x21: {  	s3 =	sadd.s32 s3, s9;
	s6 =	sadd.s32 @!p0 $0x88, s6;
	s7 =	simm.s32 @p2 $0x1082  }
0x22: {  	[simem:s7], [sflag:s8] =	dma.local @!p0 [hbm:s6], $0xF7A  }
0x23: {  	s9 =	sor.u32 $0xD0000000, s2;
	s6 =	simm.s32 $0x108;
	_ =	swait.ge @!p0 [sflag:s8], $0x0  }
0x24: {  	s3 =	sadd.s32 $0x88, s3;
	s6 =	simm.s32 @!p1 $0x1082;
	[sflag:s4] =	ssyncset.s32 $0xFFFFF086  }
0x25: {  	[simem:s6], [sflag:s4] =	dma.local [hbm:s3], $0xF7A  }
0x26: {  	[smem:$0x3F98] =	sst s1;
	(tag) =	ssettag s2;
	_ =	strace s9  }
0x27: {  	s1 =	sld [smem:$0x3FA8]  }
0x28: {  	s2 =	sld [smem:$0x3FA9]  }
0x29: {  	s4 =	sld [smem:$0x3FAB]  }
0x2a: {  	p0 =	seq.s32 s5, $0x0;
	s5 =	sld [smem:$0x3FAC]  }
0x2b: {  	s6 =	sld [smem:$0x3FAD]  }
0x2c: {  	s7 =	sld [smem:$0x3FAE]  }
0x2d: {  	s3 =	simm.s32 $0x108;
	s8 =	sld [smem:$0x3FAF]  }
0x2e: {  	s3 =	simm.s32 @!p0 $0x1082;
	s9 =	sld [smem:$0x3FB0]  }
0x2f: {  	lr =	sadd.s32 s0, s3;
	s0 =	sld [smem:$0x3FA7]  }
0x30: {  	s3 =	sld [smem:$0x3FAA]  }
0x31: {  	[smem:$0x3FB3] =	sst s10  }
0x32: {  	s10 =	sld [smem:$0x3FB1];
	_ =	sdelay $0x3  }
0x33: {  	p0 =	seq.s32 s10, $0x1;
	s10 =	sld [smem:$0x3FB3];
	_ =	sdelay $0x3  }
0x34: {  	[smem:$0x3FB3] =	sst s10  }
0x35: {  	s10 =	sld [smem:$0x3FB2];
	_ =	sdelay $0x3  }
0x36: {  	p1 =	seq.s32 s10, $0x1;
	s10 =	sld [smem:$0x3FB3];
	_ =	sdelay $0x3  }
0x37: {  	[smem:$0x3FB3] =	sst s10  }
0x38: {  	s10 =	sld [smem:$0x3FB4]  }
0x39: {  	_ = 	snop;
	(pc) =	sbr.ind lr, $3  }
0x3a: {  	_ = 	snop  }
0x3b: {  	_ = 	snop  }
0x3c: {  	p2 =	seq.s32 s10, $0x1;
	s10 =	sld [smem:$0x3FB3]  }
0x3d: {  	_ =	shalt  }
0x3e: {  	_ =	shalt  }
0x3f: {  	_ =	shalt  }
0x40: {  	_ =	shalt  }
0x41: {  	_ =	shalt  }
0x42: {  	_ =	shalt  }
0x43: {  	_ =	shalt  }
0x44: {  	_ =	shalt  }
0x45: {  	_ =	shalt  }
0x46: {  	_ =	shalt  }
0x47: {  	_ =	shalt  }
0x48: {  	_ =	shalt  }
0x49: {  	_ =	shalt  }
0x4a: {  	_ =	shalt  }
0x4b: {  	_ =	shalt  }
0x4c: {  	_ =	shalt  }
0x4d: {  	_ =	shalt  }
0x4e: {  	_ =	shalt  }
0x4f: {  	_ =	shalt  }
0x50: {  	_ =	shalt  }
0x51: {  	_ =	shalt  }
0x52: {  	_ =	shalt  }
0x53: {  	_ =	shalt  }
0x54: {  	_ =	shalt  }
0x55: {  	_ =	shalt  }
0x56: {  	_ =	shalt  }
0x57: {  	_ =	shalt  }
0x58: {  	_ =	shalt  }
0x59: {  	_ =	shalt  }
0x5a: {  	_ =	shalt  }
0x5b: {  	_ =	shalt  }
0x5c: {  	_ =	shalt  }
0x5d: {  	_ =	shalt  }
0x5e: {  	_ =	shalt  }
0x5f: {  	_ =	shalt  }
0x60: {  	_ =	shalt  }
0x61: {  	_ =	shalt  }
0x62: {  	_ =	shalt  }
0x63: {  	_ =	shalt  }
0x64: {  	_ =	shalt  }
0x65: {  	_ =	shalt  }
0x66: {  	_ =	shalt  }
0x67: {  	_ =	shalt  }
0x68: {  	_ =	shalt  }
0x69: {  	_ =	shalt  }
0x6a: {  	_ =	shalt  }
0x6b: {  	_ =	shalt  }
0x6c: {  	_ =	shalt  }
0x6d: {  	_ =	shalt  }
0x6e: {  	_ =	shalt  }
0x6f: {  	_ =	shalt  }
0x70: {  	_ =	shalt  }
0x71: {  	_ =	shalt  }
0x72: {  	_ =	shalt  }
0x73: {  	_ =	shalt  }
0x74: {  	_ =	shalt  }
0x75: {  	_ =	shalt  }
0x76: {  	_ =	shalt  }
0x77: {  	_ =	shalt  }
0x78: {  	_ =	shalt  }
0x79: {  	_ =	shalt  }
0x7a: {  	_ =	shalt  }
0x7b: {  	_ =	shalt  }
0x7c: {  	_ =	shalt  }
0x7d: {  	_ =	shalt  }
0x7e: {  	_ =	shalt  }
0x7f: {  	_ =	shalt  }
0x80: {  	_ =	shalt  }
0x81: {  	_ =	shalt  }
0x82: {  	_ =	shalt  }
0x83: {  	_ =	shalt  }
0x84: {  	_ =	shalt  }
0x85: {  	_ =	shalt  }
0x86: {  	_ =	shalt  }
0x87: {  	_ =	shalt  }
.Lfunc_end0:
.L_simem_size_0:
called_computation.2_lowered:
.L_overlay_start_0:
0x88: {  	s2 =	sld [smem:$0x3FD9]  }
0x89: {  	s3 =	sld [smem:$0x3FFE];
	_ =	sdelay $0x1  }
0x8a: {  	s1 =	srdreg.scid  }
0x8b: {  	s0 =	sand.u32 $0x1, s1  }
0x8c: {  	s17 =	sshll.u32 s0, $0xA;
	s2 =	sadd.s32 s3, s2  }
0x8d: {  	s2 =	sadd.s32 s2, s17  }
0x8e: {  	[smem:$0x3FBF] =	sst s2  }
0x8f: {  	_ = 	snop  }
0x90: {  	s2 =	sld [smem:$0x3FD0];
	(tm) =	ssettm $0x1  }
0x91: {  	s18 =	sld [smem:$0x3FFB];
	_ =	sdelay $0x3  }
0x92: {  	_ =	strace s18  }
0x93: {  	s3 =	sld [smem:$0x3FFC];
	_ =	sdelay $0x3  }
0x94: {  	_ =	strace s3  }
0x95: {  	s3 =	sld [smem:$0x3FFD];
	_ =	sdelay $0x3  }
0x96: {  	_ =	strace s3  }
0x97: {  	_ =	strace $0x8FFFFFFF  }
0x98: {  	s19 =	sld [smem:$0x3FDB];
	_ =	sdelay $0x1  }
0x99: {  	s4 =	simm.s32 $_scs_section_size  }
0x9a: {  	s5 =	simm.s32 $_size__tile_overlayer_lowered;
	s6 =	simm.s32 $_tile_overlayer_lowered  }
0x9b: {  	s22 =	simm.s32 $0x1BFF;
	s21 =	sshll.u32 s6, $0x1;
	s3 =	sadd.s32 s4, s19  }
0x9c: {  	s7 =	simm.s32 $0x0;
	s20 =	sshll.u32 s5, $0x1;
	s5 =	sadd.s32 s21, s3  }
0x9d: {  	[timem:s7], [sflag:s22] =	dma.local [hbm:s5], s20  }
0x9e: {  	_ =	swait.ge [sflag:s22], s20  }
0x9f: {  	s4 =	ssub.s32 $0x0, s20;
	[sflag:s22] =	ssyncset.done $0x0  }
0xa0: {  	[sflag:s22] =	ssyncadd.s32 s4;
	_ =	sdelay $0x1  }
0xa1: {  	s23 =	simm.s32 $0x1B8B  }
0xa2: {  	_ =	swait.ge [sflag:s23], $0x1  }
0xa3: {  	[sflag:s23] =	ssyncset.done $0x0  }
0xa4: {  	s25 =	simm.s32 $0x1B8E;
	s24 =	sld [smem:$0x3FFE];
	[sflag:s23] =	ssyncadd.s32 $0xFFFFFFFF  }
0xa5: {  	s26 =	simm.s32 $execute0_lowered;
	[smem:$0x3FD2] =	sst s25  }
0xa6: {  	s5 =	sshll.u32 s26, $0x1;
	_ =	strace $0x8000004C;
	[dreg:$0x1] =	wrdreg $0xFFFFFFFF  }
0xa7: {  	s28 =	simm.s32 $_size_execute0_lowered;
	s3 =	sadd.s32 s3, s5;
	[dreg:$0x0] =	wrdreg $0x0  }
0xa8: {  	s5 =	sshll.u32 s28, $0x1;
	[dreg:$0x2] =	wrdreg s3  }
0xa9: {  	[dreg:$0x3] =	wrdreg s5  }
0xaa: {  	[dreg:$0x4] =	wrdreg $0xC0  }
0xab: {  	_ =	task [dreg:s7], $0x5FFFF  }
0xac: {  	[dreg:$0x1] =	wrdreg $0xFFFFFFFF  }
0xad: {  	[dreg:$0x0] =	wrdreg $0x60  }
0xae: {  	[dreg:$0x2] =	wrdreg s2  }
0xaf: {  	[dreg:$0x3] =	wrdreg s24  }
0xb0: {  	[dreg:$0x4] =	wrdreg $0x90000  }
0xb1: {  	[dreg:$0x5] =	wrdreg $0x9  }
0xb2: {  	_ =	task.clear_ibuf [dreg:s7], $0x6FFFF;
	_ =	strace $0x9000004C  }
0xb3: {  	s29 =	simm.s32 $0x9;
	_ =	strace $0x8000004E  }
0xb4: {  	_ =	swait.ge [sflag:s29], $0x1  }
0xb5: {  	[sflag:s29] =	ssyncadd.s32 $0xFFFFFFFF  }
0xb6: {  	_ =	strace $0x9000004E  }
0xb7: {  	_ =	sfence  }
0xb8: {  	s30 =	sld [smem:$0x0];
	_ =	sdelay $0x2  }
0xb9: {  	s31 =	sshll.u32 s1, $0xD;
	s1 =	sshrl.u32 s1, $0x2  }
0xba: {  	s3 =	sand.u32 $0x4000, s31;
	s1 =	sadd.s32 s1, s30  }
0xbb: {  	s0 =	sor.u32 s3, s0;
	s1 =	sshll.u32 s1, $0x11  }
0xbc: {  	s0 =	sor.u32 s1, s0  }
0xbd: {  	s0 =	sadd.s32 $0x8F2B, s0  }
0xbe: {  	[sflag:s0] =	ssyncadd.remote.s32 $0x1  }
0xbf: {  	_ =	sfence.sel $0xFFFF  }
0xc0: {  	[dreg:$0x0] =	wrdreg $0xFFFFFFFF;
	(pc) =	sbr.abs _section_cstart, $3  }
0xc1: {  	[dreg:$0x1] =	wrdreg $0xFFFFFFFF  }
0xc2: {  	_ =	task.clear_ibuf [dreg:s7], $0x2FFFF;
	_ =	strace $0x9FFFFFFF  }
0xc3: {  	(tm) =	ssettm $0x7FFFFFFF  }
tec
execute0_lowered:
.L_overlay_start_1:
0x0: {  	(tag) =	ssettag $0x1  }
0x1: {  	s1 =	rddreg [dreg:$0x0]  }
0x2: {  	s8 =	rddreg [dreg:$0x1]  }
0x3: {  	s3 =	rddreg [dreg:$0x2]  }
0x4: {  	s0 =	rddreg [dreg:$0x3];
	s4 =	simm.s32 $0x0  }
0x5: {  	s2 =	stileid.u32;
	s7 =	srdreg.scid;
	s16 =	simm.s32 $0x1  }
0x6: {  	s17 =	simm.s32 $0x2800;
	s18 =	simm.s32 $0x80;
	s19 =	simm.s32 $0x5000  }
0x7: {  	s20 =	simm.s32 $0x2;
	[smem:$0x7FF] =	sst s4;
	s6 =	smul.u32 $0x500, s2  }
0x8: {  	s5 =	sadd.s32 $0x8200, s8;
	s14 =	sand.u32 $0x1, s7;
	s31 =	smul.u32 $0x4F000, s2  }
0x9: {  	s7 =	smul.u32 $0x2780, s2;
	s21 =	sshll.u32 s2, $0x6;
	_ =	strace $0x8000004D  }
0xa: {  	s9 =	ssub.s32 $0x2, s14;
	p0 =	sne.s32 s14, $0x0;
	s14 =	sor.u32 $0x1C01, s21  }
.Ltmp0:
0xb: {  	s21 =	sor.u32 $0x1C02, s21;
	s11 =	sadd.s32 s6, s8;
	(pc) =	sbr.rel .LBB2_1-.Ltmp0, $4  }
0xc: {  	s6 =	sadd.s32 $0x37A00, s8;
	s10 =	sshrl.u32 s9, $0x1;
	s12 =	sshrl.u32 s31, $0x2  }
0xd: {  	s8 =	sadd.s32 $0x5F200, s8;
	s13 =	ssub.s32 s9, s10;
	s15 =	sadd.s32 s12, s3  }
0xe: {  	s9 =	sadd.s32 s5, s7;
	s10 =	sadd.s32 $0x32A00, s11;
	s11 =	sadd.s32 $0x3200, s11  }
0xf: {  	s12 =	sadd.s32 s1, s7;
	s13 =	smax.u32 s13, $0x1;
	s15 =	sshrl.u32 s15, $0x3  }
.LBB2_7:
0x10: {  	s22 =	sshra.s32 s22, $0x2;
	[sflag:s20] =	ssyncadd.s32 $0xFFFFC000  }
0x11: {  	[tilespmem:s19], [sflag:$0x1] =	stream.indirect.gather [hbm4b:s5+s18], $0x80, s22, s18, $0xb8;
	[tilespmem:$0x1CC00] =	vst v63  }
0x12: {  	_ =	swait.ge [sflag:s16], $0x4000  }
0x13: {  	[sflag:s16] =	ssyncset.done $0x0  }
0x14: {  	s22 =	sadd.s32 $0x2800, s22;
	[sflag:s16] =	ssyncadd.s32 $0xFFFFC000  }
0x15: {  	[spmem:s3] =	stream.indirect.scatter.add.f32 [tilespmem:s19], [sflag:$0x2], $0x80, s22, s18, $0xb8;
	[tilespmem:$0x1CC00] =	vst v63  }
0x16: {  	_ =	swait.ge [sflag:s20], $0x4000  }
0x17: {  	[sflag:s20] =	ssyncset.done $0x0  }
0x18: {  	[sflag:s20] =	ssyncadd.s32 $0xFFFFC000  }
0x19: {  	s22 =	smov.u32 s8;
	[bflag:$0x0] =	sbarrier.arrive $0xFFFF  }
.LBB2_8:
0x1a: {  	s4 =	sadd.s32 $0x1, s4  }
0x1b: {  	p1 =	sne.s32 s4, s13  }
.Ltmp1:
0x1c: {  	s22 =	sadd.s32 s22, s7;
	(pc) =	sbr.rel @!p1 .LBB2_9-.Ltmp1, $4  }
0x1d: {  	[hbm:s22], [sflag:s21] =	dma.local [spmem:s15], $0x2780  }
0x1e: {  	_ =	swait.ge [sflag:s20], $0x2780  }
0x1f: {  	[sflag:s20] =	ssyncset.done $0x0  }
0x20: {  	[sflag:s20] =	ssyncadd.s32 $0xFFFFD880  }
.LBB2_1:
.Ltmp2:
0x21: {  	(pc) =	sbr.rel @p0 .LBB2_5-.Ltmp2, $1  }
0x22: {  	_ =	sdelay $0x3  }
0x23: {  	[spmem:s15], [sflag:s14] =	dma.local [hbm:s12], $0x2780  }
0x24: {  	_ =	swait.ge [sflag:s16], $0x2780  }
0x25: {  	[sflag:s16] =	ssyncset.done $0x0  }
0x26: {  	s22 =	simm.s32 $0x0;
	[sflag:s16] =	ssyncadd.s32 $0xFFFFD880  }
0x27: {  	[tilespmem:s22], [sflag:$0x1] =	stream.linear.gather [hbm4b:s10+s22], $0x2800, $0x38;
	[tilespmem:$0x1CC00] =	vst v63  }
0x28: {  	_ =	swait.ge [sflag:s16], $0x2800  }
0x29: {  	[sflag:s16] =	ssyncset.done $0x0  }
0x2a: {  	[sflag:s16] =	ssyncadd.s32 $0xFFFFD800  }
0x2b: {  	[tilespmem:s17], [sflag:$0x1] =	stream.linear.gather [hbm4b:s11+s22], $0x2800, $0x38;
	[tilespmem:$0x1CC00] =	vst v63  }
0x2c: {  	_ =	swait.ge [sflag:s16], $0x2800  }
0x2d: {  	[sflag:s16] =	ssyncset.done $0x0  }
0x2e: {  	[sflag:s16] =	ssyncadd.s32 $0xFFFFD800  }
0x2f: {  	s30 =	simm.s32 $0x0;
	[bflag:$0x0] =	sbarrier.arrive $0xFFFF  }
0x30: {  	[tilespmem:s19], [sflag:$0x1] =	stream.indirect.gather [hbm4b:s1+s18], $0x80, s30, s18, $0xb8;
	[tilespmem:$0x1CC00] =	vst v63  }
0x31: {  	_ =	swait.ge [sflag:s16], $0x4000  }
0x32: {  	[sflag:s16] =	ssyncset.done $0x0  }
0x33: {  	s31 =	simm.s32 $0x2800;
	[sflag:s16] =	ssyncadd.s32 $0xFFFFC000  }
0x34: {  	[spmem:s3] =	stream.indirect.scatter.add.f32 [tilespmem:s19], [sflag:$0x2], $0x80, s31, s18, $0xb8;
	[tilespmem:$0x1CC00] =	vst v63  }
0x35: {  	_ =	swait.ge [sflag:s20], $0x4000  }
0x36: {  	s23 =	simm.s32 $0x400;
	s22 =	simm.s32 $0x200;
	[sflag:s20] =	ssyncset.done $0x0  }
.LBB2_3:
0x37: {  	s24 =	sshra.s32 s22, $0x2  }
0x38: {  	[sflag:s20] =	ssyncadd.s32 $0xFFFFC000;
	s22 =	smov.u32 s23;
	s25 =	sadd.s32 $0x200, s23  }
0x39: {  	[tilespmem:s19], [sflag:$0x1] =	stream.indirect.gather [hbm4b:s1+s18], $0x80, s24, s18, $0xb8;
	[tilespmem:$0x1CC00] =	vst v63  }
0x3a: {  	p1 =	seq.s32 s23, $0x9E00;
	_ =	swait.ge [sflag:s16], $0x4000  }
.Ltmp3:
0x3b: {  	[sflag:s16] =	ssyncset.done $0x0;
	(pc) =	sbr.rel @!p1 .LBB2_3-.Ltmp3, $4  }
0x3c: {  	s23 =	sadd.s32 $0x2800, s24;
	[sflag:s16] =	ssyncadd.s32 $0xFFFFC000  }
0x3d: {  	[spmem:s3] =	stream.indirect.scatter.add.f32 [tilespmem:s19], [sflag:$0x2], $0x80, s23, s18, $0xb8;
	[tilespmem:$0x1CC00] =	vst v63  }
0x3e: {  	_ =	swait.ge [sflag:s20], $0x4000  }
0x3f: {  	s23 =	smov.u32 s25;
	[sflag:s20] =	ssyncset.done $0x0  }
0x40: {  	s22 =	sshra.s32 s22, $0x2;
	[sflag:s20] =	ssyncadd.s32 $0xFFFFC000  }
0x41: {  	[tilespmem:s19], [sflag:$0x1] =	stream.indirect.gather [hbm4b:s1+s18], $0x80, s22, s18, $0xb8;
	[tilespmem:$0x1CC00] =	vst v63  }
0x42: {  	_ =	swait.ge [sflag:s16], $0x4000  }
0x43: {  	[sflag:s16] =	ssyncset.done $0x0  }
0x44: {  	s22 =	sadd.s32 $0x2800, s22;
	[sflag:s16] =	ssyncadd.s32 $0xFFFFC000  }
0x45: {  	[spmem:s3] =	stream.indirect.scatter.add.f32 [tilespmem:s19], [sflag:$0x2], $0x80, s22, s18, $0xb8;
	[tilespmem:$0x1CC00] =	vst v63  }
.Ltmp4:
0x46: {  	_ =	swait.ge [sflag:s20], $0x4000;
	(pc) =	sbr.rel .LBB2_8-.Ltmp4, $4  }
0x47: {  	[sflag:s20] =	ssyncset.done $0x0  }
0x48: {  	[sflag:s20] =	ssyncadd.s32 $0xFFFFC000  }
0x49: {  	[bflag:$0x0] =	sbarrier.arrive $0xFFFF  }
0x4a: {  	s22 =	smov.u32 s6  }
.LBB2_5:
0x4b: {  	[spmem:s15], [sflag:s14] =	dma.local [hbm:s9], $0x2780  }
0x4c: {  	_ =	swait.ge [sflag:s16], $0x2780  }
0x4d: {  	[sflag:s16] =	ssyncset.done $0x0  }
0x4e: {  	s22 =	simm.s32 $0x0;
	[sflag:s16] =	ssyncadd.s32 $0xFFFFD880  }
0x4f: {  	[tilespmem:s22], [sflag:$0x1] =	stream.linear.gather [hbm4b:s10+s22], $0x2800, $0x38;
	[tilespmem:$0x1CC00] =	vst v63  }
0x50: {  	_ =	swait.ge [sflag:s16], $0x2800  }
0x51: {  	[sflag:s16] =	ssyncset.done $0x0  }
0x52: {  	[sflag:s16] =	ssyncadd.s32 $0xFFFFD800  }
0x53: {  	[tilespmem:s17], [sflag:$0x1] =	stream.linear.gather [hbm4b:s11+s22], $0x2800, $0x38;
	[tilespmem:$0x1CC00] =	vst v63  }
0x54: {  	_ =	swait.ge [sflag:s16], $0x2800  }
0x55: {  	[sflag:s16] =	ssyncset.done $0x0  }
0x56: {  	[sflag:s16] =	ssyncadd.s32 $0xFFFFD800  }
0x57: {  	s30 =	simm.s32 $0x0;
	[bflag:$0x0] =	sbarrier.arrive $0xFFFF  }
0x58: {  	[tilespmem:s19], [sflag:$0x1] =	stream.indirect.gather [hbm4b:s5+s18], $0x80, s30, s18, $0xb8;
	[tilespmem:$0x1CC00] =	vst v63  }
0x59: {  	_ =	swait.ge [sflag:s16], $0x4000  }
0x5a: {  	[sflag:s16] =	ssyncset.done $0x0  }
0x5b: {  	s31 =	simm.s32 $0x2800;
	[sflag:s16] =	ssyncadd.s32 $0xFFFFC000  }
0x5c: {  	[spmem:s3] =	stream.indirect.scatter.add.f32 [tilespmem:s19], [sflag:$0x2], $0x80, s31, s18, $0xb8;
	[tilespmem:$0x1CC00] =	vst v63  }
0x5d: {  	_ =	swait.ge [sflag:s20], $0x4000  }
0x5e: {  	s23 =	simm.s32 $0x400;
	s22 =	simm.s32 $0x200;
	[sflag:s20] =	ssyncset.done $0x0  }
.LBB2_6:
0x5f: {  	s24 =	sshra.s32 s22, $0x2  }
0x60: {  	[sflag:s20] =	ssyncadd.s32 $0xFFFFC000;
	s22 =	smov.u32 s23;
	s25 =	sadd.s32 $0x200, s23  }
0x61: {  	[tilespmem:s19], [sflag:$0x1] =	stream.indirect.gather [hbm4b:s5+s18], $0x80, s24, s18, $0xb8;
	[tilespmem:$0x1CC00] =	vst v63  }
0x62: {  	p1 =	sne.s32 s23, $0x9E00;
	_ =	swait.ge [sflag:s16], $0x4000  }
.Ltmp5:
0x63: {  	[sflag:s16] =	ssyncset.done $0x0;
	(pc) =	sbr.rel @p1 .LBB2_6-.Ltmp5, $4  }
0x64: {  	s23 =	sadd.s32 $0x2800, s24;
	[sflag:s16] =	ssyncadd.s32 $0xFFFFC000  }
0x65: {  	[spmem:s3] =	stream.indirect.scatter.add.f32 [tilespmem:s19], [sflag:$0x2], $0x80, s23, s18, $0xb8;
	[tilespmem:$0x1CC00] =	vst v63  }
0x66: {  	_ =	swait.ge [sflag:s20], $0x4000  }
0x67: {  	s23 =	smov.u32 s25;
	[sflag:s20] =	ssyncset.done $0x0  }
.Ltmp6:
0x68: {  	_ = 	snop;
	(pc) =	sbr.rel .LBB2_7-.Ltmp6, $1  }
0x69: {  	_ =	sdelay $0x3  }
.LBB2_9:
0x6a: {  	_ =	sfence.sel $0x180000  }
0x6b: {  	[bflag:$0x0] =	sbarrier.arrive $0xFFFF  }
0x6c: {  	p0 =	sne.s32 s2, $0x0;
	_ =	strace $0x9000004D  }
0x6d: {  	s0 =	sadd.s32 @!p0 $0x100000, s0;
	[bflag:$0x2] =	sbarrier.arrive $0xFFFF  }
0x6e: {  	[sflag:s0] =	ssyncadd.tile.s32 @!p0 $0x1;
	_ =	shalt  }
.Lfunc_end2:
_tile_overlayer_lowered:
.L_overlay_start_2:
0x6f: {  	(tag) =	ssettag $0x2  }
0x70: {  	s0 =	rddreg [dreg:$0x0];
	s2 =	stileid.u32  }
0x71: {  	s1 =	rddreg [dreg:$0x1];
	p0 =	sne.s32 s2, $0x0  }
0x72: {  	s3 =	rddreg [dreg:$0x2];
	[bflag:$0x3] =	sbarrier.arrive $0xFFFF;
	s2 =	simm.s32 @!p0 $0x1C02  }
0x73: {  	[timem:s3], [sflag:s2] =	dma.local @!p0 [hbm:s0], s1  }
0x74: {  	s0 =	simm.s32 @!p0 $0x2  }
0x75: {  	_ =	swait.ge @!p0 [sflag:s0], s1  }
0x76: {  	s1 =	ssub.s32 @!p0 $0x0, s1;
	[sflag:s0] =	ssyncset.done @!p0 $0x0  }
0x77: {  	[sflag:s0] =	ssyncadd.s32 @!p0 s1  }
0x78: {  	[bflag:$0x3] =	sbarrier.arrive $0xFFFF  }
0x79: {  	_ =	shalt  }

// kernel: kernel.8.cloned.1.call-start
scs
__scs_entry_jumppad:
0x0: {  	(pc) =	sbr.rel $0x88, $3  }
0x1: {  	(tag) =	ssettag $0x0;
	lr =	simm.s32 $0x1  }
0x2: {  	[smem:$0x3F98] =	sst lr;
	_ =	strace $0xD0000000  }
0x3: {  	_ = 	snop  }
0x4: {  	_ = 	snop  }
0x5: {  	_ = 	snop  }
0x6: {  	_ = 	snop  }
0x7: {  	_ = 	snop  }
__scs_overlays_trampoline_lowered:
0x8: {  	[smem:$0x3FA7] =	sst s0  }
0x9: {  	[smem:$0x3FA8] =	sst s1  }
0xa: {  	[smem:$0x3FA9] =	sst s2  }
0xb: {  	[smem:$0x3FAA] =	sst s3  }
0xc: {  	[smem:$0x3FAB] =	sst s4  }
0xd: {  	[smem:$0x3FAC] =	sst s5  }
0xe: {  	[smem:$0x3FAD] =	sst s6  }
0xf: {  	[smem:$0x3FAE] =	sst s7  }
0x10: {  	[smem:$0x3FAF] =	sst s8  }
0x11: {  	[smem:$0x3FB0] =	sst s9;
	s0 =	simm.s32 @!p0 $0x0  }
0x12: {  	s1 =	sld [smem:$0x3F96];
	s0 =	simm.s32 @p0 $0x1  }
0x13: {  	[smem:$0x3FB1] =	sst s0;
	s0 =	simm.s32 @!p1 $0x0  }
0x14: {  	s2 =	sld [smem:$0x3F95];
	s0 =	simm.s32 @p1 $0x1  }
0x15: {  	[smem:$0x3FB2] =	sst s0;
	s0 =	simm.s32 @!p2 $0x0  }
0x16: {  	s3 =	sld [smem:$0x3FDB];
	s0 =	simm.s32 @p2 $0x1  }
0x17: {  	s4 =	simm.s32 $0x1BF5;
	[smem:$0x3FB4] =	sst s0  }
0x18: {  	s0 =	sld [smem:$0x3F97];
	_ =	swait.ge [sflag:s4], $0x0  }
0x19: {  	s7 =	sld [smem:$0x3F98]  }
0x1a: {  	s8 =	sadd.s32 $0xFFFFE003, lr  }
0x1b: {  	s9 =	sadd.s32 $0xFFFFFEF7, lr;
	s5 =	simm.s32 $0xFFFFFFFF;
	p2 =	slt.u32 s8, $0xFFFFF086  }
0x1c: {  	p1 =	slt.u32 s9, $0xF7A;
	s5 =	simm.s32 @!p2 $0x0  }
0x1d: {  	s5 =	simm.s32 @p1 $0x1;
	p0 =	seq.s32 s7, s2  }
0x1e: {  	s7 =	smul.u32 @!p0 $0xF7A, s2;
	p2 =	seq.s32 @!p0 s5, $0x0  }
0x1f: {  	s9 =	smul.u32 $0xF7A, s1;
	s8 =	simm.s32 @!p0 $0x1BF5;
	p2 =	por !p2, p0  }
0x20: {  	[sflag:s8] =	ssyncset.s32 @!p0 $0xFFFFF086;
	s6 =	sadd.s32 @!p0 s3, s7;
	s7 =	simm.s32 @!p0 $0x108  }
0x21: {  	s3 =	sadd.s32 s3, s9;
	s6 =	sadd.s32 @!p0 $0x88, s6;
	s7 =	simm.s32 @p2 $0x1082  }
0x22: {  	[simem:s7], [sflag:s8] =	dma.local @!p0 [hbm:s6], $0xF7A  }
0x23: {  	s9 =	sor.u32 $0xD0000000, s2;
	s6 =	simm.s32 $0x108;
	_ =	swait.ge @!p0 [sflag:s8], $0x0  }
0x24: {  	s3 =	sadd.s32 $0x88, s3;
	s6 =	simm.s32 @!p1 $0x1082;
	[sflag:s4] =	ssyncset.s32 $0xFFFFF086  }
0x25: {  	[simem:s6], [sflag:s4] =	dma.local [hbm:s3], $0xF7A  }
0x26: {  	[smem:$0x3F98] =	sst s1;
	(tag) =	ssettag s2;
	_ =	strace s9  }
0x27: {  	s1 =	sld [smem:$0x3FA8]  }
0x28: {  	s2 =	sld [smem:$0x3FA9]  }
0x29: {  	s4 =	sld [smem:$0x3FAB]  }
0x2a: {  	p0 =	seq.s32 s5, $0x0;
	s5 =	sld [smem:$0x3FAC]  }
0x2b: {  	s6 =	sld [smem:$0x3FAD]  }
0x2c: {  	s7 =	sld [smem:$0x3FAE]  }
0x2d: {  	s3 =	simm.s32 $0x108;
	s8 =	sld [smem:$0x3FAF]  }
0x2e: {  	s3 =	simm.s32 @!p0 $0x1082;
	s9 =	sld [smem:$0x3FB0]  }
0x2f: {  	lr =	sadd.s32 s0, s3;
	s0 =	sld [smem:$0x3FA7]  }
0x30: {  	s3 =	sld [smem:$0x3FAA]  }
0x31: {  	[smem:$0x3FB3] =	sst s10  }
0x32: {  	s10 =	sld [smem:$0x3FB1];
	_ =	sdelay $0x3  }
0x33: {  	p0 =	seq.s32 s10, $0x1;
	s10 =	sld [smem:$0x3FB3];
	_ =	sdelay $0x3  }
0x34: {  	[smem:$0x3FB3] =	sst s10  }
0x35: {  	s10 =	sld [smem:$0x3FB2];
	_ =	sdelay $0x3  }
0x36: {  	p1 =	seq.s32 s10, $0x1;
	s10 =	sld [smem:$0x3FB3];
	_ =	sdelay $0x3  }
0x37: {  	[smem:$0x3FB3] =	sst s10  }
0x38: {  	s10 =	sld [smem:$0x3FB4]  }
0x39: {  	_ = 	snop;
	(pc) =	sbr.ind lr, $3  }
0x3a: {  	_ = 	snop  }
0x3b: {  	_ = 	snop  }
0x3c: {  	p2 =	seq.s32 s10, $0x1;
	s10 =	sld [smem:$0x3FB3]  }
0x3d: {  	_ =	shalt  }
0x3e: {  	_ =	shalt  }
0x3f: {  	_ =	shalt  }
0x40: {  	_ =	shalt  }
0x41: {  	_ =	shalt  }
0x42: {  	_ =	shalt  }
0x43: {  	_ =	shalt  }
0x44: {  	_ =	shalt  }
0x45: {  	_ =	shalt  }
0x46: {  	_ =	shalt  }
0x47: {  	_ =	shalt  }
0x48: {  	_ =	shalt  }
0x49: {  	_ =	shalt  }
0x4a: {  	_ =	shalt  }
0x4b: {  	_ =	shalt  }
0x4c: {  	_ =	shalt  }
0x4d: {  	_ =	shalt  }
0x4e: {  	_ =	shalt  }
0x4f: {  	_ =	shalt  }
0x50: {  	_ =	shalt  }
0x51: {  	_ =	shalt  }
0x52: {  	_ =	shalt  }
0x53: {  	_ =	shalt  }
0x54: {  	_ =	shalt  }
0x55: {  	_ =	shalt  }
0x56: {  	_ =	shalt  }
0x57: {  	_ =	shalt  }
0x58: {  	_ =	shalt  }
0x59: {  	_ =	shalt  }
0x5a: {  	_ =	shalt  }
0x5b: {  	_ =	shalt  }
0x5c: {  	_ =	shalt  }
0x5d: {  	_ =	shalt  }
0x5e: {  	_ =	shalt  }
0x5f: {  	_ =	shalt  }
0x60: {  	_ =	shalt  }
0x61: {  	_ =	shalt  }
0x62: {  	_ =	shalt  }
0x63: {  	_ =	shalt  }
0x64: {  	_ =	shalt  }
0x65: {  	_ =	shalt  }
0x66: {  	_ =	shalt  }
0x67: {  	_ =	shalt  }
0x68: {  	_ =	shalt  }
0x69: {  	_ =	shalt  }
0x6a: {  	_ =	shalt  }
0x6b: {  	_ =	shalt  }
0x6c: {  	_ =	shalt  }
0x6d: {  	_ =	shalt  }
0x6e: {  	_ =	shalt  }
0x6f: {  	_ =	shalt  }
0x70: {  	_ =	shalt  }
0x71: {  	_ =	shalt  }
0x72: {  	_ =	shalt  }
0x73: {  	_ =	shalt  }
0x74: {  	_ =	shalt  }
0x75: {  	_ =	shalt  }
0x76: {  	_ =	shalt  }
0x77: {  	_ =	shalt  }
0x78: {  	_ =	shalt  }
0x79: {  	_ =	shalt  }
0x7a: {  	_ =	shalt  }
0x7b: {  	_ =	shalt  }
0x7c: {  	_ =	shalt  }
0x7d: {  	_ =	shalt  }
0x7e: {  	_ =	shalt  }
0x7f: {  	_ =	shalt  }
0x80: {  	_ =	shalt  }
0x81: {  	_ =	shalt  }
0x82: {  	_ =	shalt  }
0x83: {  	_ =	shalt  }
0x84: {  	_ =	shalt  }
0x85: {  	_ =	shalt  }
0x86: {  	_ =	shalt  }
0x87: {  	_ =	shalt  }
.Lfunc_end0:
.L_simem_size_0:
called_computation_lowered:
.L_overlay_start_0:
0x88: {  	s2 =	sld [smem:$0x3FD9]  }
0x89: {  	s3 =	sld [smem:$0x3FFE];
	_ =	sdelay $0x1  }
0x8a: {  	s1 =	srdreg.scid  }
0x8b: {  	s0 =	sand.u32 $0x1, s1  }
0x8c: {  	s17 =	sshll.u32 s0, $0xA;
	s2 =	sadd.s32 s3, s2  }
0x8d: {  	s2 =	sadd.s32 s2, s17  }
0x8e: {  	[smem:$0x3FBF] =	sst s2  }
0x8f: {  	_ = 	snop  }
0x90: {  	s2 =	sld [smem:$0x3FD0];
	(tm) =	ssettm $0x1  }
0x91: {  	s18 =	sld [smem:$0x3FFB];
	_ =	sdelay $0x3  }
0x92: {  	_ =	strace s18  }
0x93: {  	s3 =	sld [smem:$0x3FFC];
	_ =	sdelay $0x3  }
0x94: {  	_ =	strace s3  }
0x95: {  	s3 =	sld [smem:$0x3FFD];
	_ =	sdelay $0x3  }
0x96: {  	_ =	strace s3  }
0x97: {  	_ =	strace $0x8FFFFFFF  }
0x98: {  	s19 =	sld [smem:$0x3FDB];
	_ =	sdelay $0x1  }
0x99: {  	s4 =	simm.s32 $_scs_section_size  }
0x9a: {  	s5 =	simm.s32 $_size__tile_overlayer_lowered;
	s6 =	simm.s32 $_tile_overlayer_lowered  }
0x9b: {  	s22 =	simm.s32 $0x1BFF;
	s21 =	sshll.u32 s6, $0x1;
	s3 =	sadd.s32 s4, s19  }
0x9c: {  	s7 =	simm.s32 $0x0;
	s20 =	sshll.u32 s5, $0x1;
	s5 =	sadd.s32 s21, s3  }
0x9d: {  	[timem:s7], [sflag:s22] =	dma.local [hbm:s5], s20  }
0x9e: {  	_ =	swait.ge [sflag:s22], s20  }
0x9f: {  	s4 =	ssub.s32 $0x0, s20;
	[sflag:s22] =	ssyncset.done $0x0  }
0xa0: {  	[sflag:s22] =	ssyncadd.s32 s4;
	_ =	sdelay $0x1  }
0xa1: {  	s23 =	simm.s32 $0x1B8B  }
0xa2: {  	_ =	swait.ge [sflag:s23], $0x1  }
0xa3: {  	[sflag:s23] =	ssyncset.done $0x0  }
0xa4: {  	s25 =	simm.s32 $0x1B8E;
	s24 =	sld [smem:$0x3FFE];
	[sflag:s23] =	ssyncadd.s32 $0xFFFFFFFF  }
0xa5: {  	s26 =	simm.s32 $execute0_lowered;
	[smem:$0x3FD2] =	sst s25  }
0xa6: {  	s5 =	sshll.u32 s26, $0x1;
	_ =	strace $0x80000046;
	[dreg:$0x1] =	wrdreg $0xFFFFFFFF  }
0xa7: {  	s28 =	simm.s32 $_size_execute0_lowered;
	s3 =	sadd.s32 s3, s5;
	[dreg:$0x0] =	wrdreg $0x0  }
0xa8: {  	s5 =	sshll.u32 s28, $0x1;
	[dreg:$0x2] =	wrdreg s3  }
0xa9: {  	[dreg:$0x3] =	wrdreg s5  }
0xaa: {  	[dreg:$0x4] =	wrdreg $0xC0  }
0xab: {  	_ =	task [dreg:s7], $0x5FFFF  }
0xac: {  	[dreg:$0x1] =	wrdreg $0xFFFFFFFF  }
0xad: {  	[dreg:$0x0] =	wrdreg $0x60  }
0xae: {  	[dreg:$0x2] =	wrdreg s24  }
0xaf: {  	[dreg:$0x3] =	wrdreg s2  }
0xb0: {  	[dreg:$0x4] =	wrdreg $0x68000  }
0xb1: {  	[dreg:$0x5] =	wrdreg $0x9  }
0xb2: {  	_ =	task.clear_ibuf [dreg:s7], $0x6FFFF;
	_ =	strace $0x90000046  }
0xb3: {  	s29 =	simm.s32 $0x9;
	_ =	strace $0x80000048  }
0xb4: {  	_ =	swait.ge [sflag:s29], $0x1  }
0xb5: {  	[sflag:s29] =	ssyncadd.s32 $0xFFFFFFFF  }
0xb6: {  	_ =	strace $0x90000048  }
0xb7: {  	_ =	sfence  }
0xb8: {  	s30 =	sld [smem:$0x0];
	_ =	sdelay $0x2  }
0xb9: {  	s31 =	sshll.u32 s1, $0xD;
	s1 =	sshrl.u32 s1, $0x2  }
0xba: {  	s3 =	sand.u32 $0x4000, s31;
	s1 =	sadd.s32 s1, s30  }
0xbb: {  	s0 =	sor.u32 s3, s0;
	s1 =	sshll.u32 s1, $0x11  }
0xbc: {  	s0 =	sor.u32 s1, s0  }
0xbd: {  	s0 =	sadd.s32 $0x8F2B, s0  }
0xbe: {  	[sflag:s0] =	ssyncadd.remote.s32 $0x1  }
0xbf: {  	_ =	sfence.sel $0xFFFF  }
0xc0: {  	[dreg:$0x0] =	wrdreg $0xFFFFFFFF;
	(pc) =	sbr.abs _section_cstart, $3  }
0xc1: {  	[dreg:$0x1] =	wrdreg $0xFFFFFFFF  }
0xc2: {  	_ =	task.clear_ibuf [dreg:s7], $0x2FFFF;
	_ =	strace $0x9FFFFFFF  }
0xc3: {  	(tm) =	ssettm $0x7FFFFFFF  }
tec
execute0_lowered:
.L_overlay_start_1:
0x0: {  	(tag) =	ssettag $0x1  }
0x1: {  	s7 =	rddreg [dreg:$0x0]  }
0x2: {  	s2 =	rddreg [dreg:$0x1]  }
0x3: {  	s3 =	rddreg [dreg:$0x2]  }
0x4: {  	s0 =	rddreg [dreg:$0x3];
	s4 =	simm.s32 $0x0  }
0x5: {  	s1 =	stileid.u32;
	s6 =	srdreg.scid;
	s14 =	simm.s32 $0x2800  }
0x6: {  	s15 =	simm.s32 $0x80;
	s16 =	simm.s32 $0x2;
	s18 =	simm.s32 $0x0  }
0x7: {  	[smem:$0x7FF] =	sst s4;
	s5 =	smul.u32 $0x500, s1;
	s12 =	sand.u32 $0x1, s6  }
0x8: {  	s8 =	smul.u32 $0x4F000, s1;
	s6 =	sadd.s32 $0x8A00, s7;
	s17 =	sshll.u32 s1, $0x6  }
0x9: {  	_ =	strace $0x80000047;
	s10 =	ssub.s32 $0x2, s12;
	p0 =	sne.s32 s12, $0x0  }
.Ltmp0:
0xa: {  	s9 =	sadd.s32 s5, s7;
	s5 =	sadd.s32 $0x8200, s7;
	(pc) =	sbr.rel .LBB2_1-.Ltmp0, $4  }
0xb: {  	s7 =	sadd.s32 $0xB200, s7;
	s11 =	sshrl.u32 s10, $0x1;
	s8 =	sshrl.u32 s8, $0x2  }
0xc: {  	s11 =	ssub.s32 s10, s11;
	s13 =	sadd.s32 s8, s3;
	s8 =	sor.u32 $0x1C01, s17  }
0xd: {  	s9 =	sadd.s32 $0x3200, s9;
	s10 =	smul.u32 $0x2780, s1;
	s17 =	sor.u32 $0x1C02, s17  }
0xe: {  	s11 =	smax.u32 s11, $0x1;
	s12 =	sshrl.u32 s13, $0x3;
	s13 =	simm.s32 $0x1  }
.LBB2_7:
0xf: {  	[sflag:s16] =	ssyncset.done $0x0  }
0x10: {  	s19 =	smov.u32 s7;
	[sflag:s16] =	ssyncadd.s32 $0xFFFFC000  }
.LBB2_8:
0x11: {  	s18 =	sadd.s32 $0x1, s18  }
0x12: {  	p1 =	sne.s32 s18, s11  }
.Ltmp1:
0x13: {  	s19 =	sadd.s32 s19, s10;
	[bflag:$0x0] =	sbarrier.arrive $0xFFFF;
	(pc) =	sbr.rel @!p1 .LBB2_9-.Ltmp1, $4  }
0x14: {  	[hbm:s19], [sflag:s17] =	dma.local [spmem:s12], $0x2780  }
0x15: {  	_ =	swait.ge [sflag:s16], $0x2780  }
0x16: {  	[sflag:s16] =	ssyncset.done $0x0  }
0x17: {  	[sflag:s16] =	ssyncadd.s32 $0xFFFFD880  }
.LBB2_1:
0x18: {  	[spmem:s12], [sflag:s8] =	dma.local [hbm:s6], $0x2780  }
0x19: {  	_ =	swait.ge [sflag:s13], $0x2780  }
0x1a: {  	[sflag:s13] =	ssyncset.done $0x0  }
0x1b: {  	[sflag:s13] =	ssyncadd.s32 $0xFFFFD880  }
0x1c: {  	[tilespmem:s14], [sflag:$0x1] =	stream.linear.gather [hbm4b:s5+s4], $0x4000, $0x38;
	[tilespmem:$0x1A400] =	vst v63  }
0x1d: {  	_ =	swait.ge [sflag:s13], $0x4000  }
0x1e: {  	[sflag:s13] =	ssyncset.done $0x0  }
0x1f: {  	[sflag:s13] =	ssyncadd.s32 $0xFFFFC000  }
0x20: {  	[tilespmem:s4], [sflag:$0x1] =	stream.linear.gather [hbm4b:s9+s4], $0x2800, $0x38;
	[tilespmem:$0x1A400] =	vst v63  }
.Ltmp2:
0x21: {  	_ =	swait.ge [sflag:s13], $0x2800;
	(pc) =	sbr.rel @p0 .LBB2_5-.Ltmp2, $4  }
0x22: {  	[sflag:s13] =	ssyncset.done $0x0  }
0x23: {  	[sflag:s13] =	ssyncadd.s32 $0xFFFFD800  }
0x24: {  	[bflag:$0x0] =	sbarrier.arrive $0xFFFF  }
0x25: {  	s19 =	sshra.s32 s4, $0x2  }
0x26: {  	[spmem:s3] =	stream.indirect.scatter.add.f32 [tilespmem:s14], [sflag:$0x2], $0x80, s19, s15, $0xb8;
	[tilespmem:$0x1A400] =	vst v63  }
0x27: {  	_ =	swait.ge [sflag:s16], $0x4000  }
0x28: {  	s19 =	sadd.s32 $0x200, s4;
	[sflag:s16] =	ssyncset.done $0x0  }
.LBB2_3:
0x29: {  	s20 =	sshra.s32 s19, $0x2;
	[sflag:s16] =	ssyncadd.s32 $0xFFFFC000;
	p1 =	seq.s32 s19, $0x4E00  }
0x2a: {  	[spmem:s3] =	stream.indirect.scatter.add.f32 [tilespmem:s14], [sflag:$0x2], $0x80, s20, s15, $0xb8;
	[tilespmem:$0x1A400] =	vst v63  }
.Ltmp3:
0x2b: {  	_ = 	snop;
	(pc) =	sbr.rel @!p1 .LBB2_3-.Ltmp3, $4  }
0x2c: {  	_ = 	snop  }
0x2d: {  	s19 =	sadd.s32 $0x200, s19  }
0x2e: {  	_ =	swait.ge [sflag:s16], $0x4000  }
0x2f: {  	[sflag:s16] =	ssyncset.done $0x0  }
.Ltmp4:
0x30: {  	(pc) =	sbr.rel .LBB2_8-.Ltmp4, $2  }
0x31: {  	_ =	sdelay $0x2  }
0x32: {  	[sflag:s16] =	ssyncadd.s32 $0xFFFFC000;
	s19 =	smov.u32 s2  }
.LBB2_5:
0x33: {  	s19 =	sadd.s32 $0x1400, s19  }
0x34: {  	[spmem:s3] =	stream.indirect.scatter.add.f32 [tilespmem:s14], [sflag:$0x2], $0x80, s19, s15, $0xb8;
	[tilespmem:$0x1A400] =	vst v63  }
0x35: {  	s19 =	sadd.s32 $0x200, s4;
	_ =	swait.ge [sflag:s16], $0x4000  }
.LBB2_6:
0x36: {  	s20 =	sshra.s32 s19, $0x2;
	[sflag:s16] =	ssyncset.done $0x0;
	p1 =	sne.s32 s19, $0x4E00  }
.Ltmp5:
0x37: {  	s20 =	sadd.s32 $0x1400, s20;
	[sflag:s16] =	ssyncadd.s32 $0xFFFFC000;
	(pc) =	sbr.rel @p1 .LBB2_6-.Ltmp5, $3  }
0x38: {  	[spmem:s3] =	stream.indirect.scatter.add.f32 [tilespmem:s14], [sflag:$0x2], $0x80, s20, s15, $0xb8;
	[tilespmem:$0x1A400] =	vst v63  }
0x39: {  	s19 =	sadd.s32 $0x200, s19;
	_ =	sdelay $0x1  }
0x3a: {  	_ =	swait.ge [sflag:s16], $0x4000  }
.Ltmp6:
0x3b: {  	_ = 	snop;
	(pc) =	sbr.rel .LBB2_7-.Ltmp6, $1  }
0x3c: {  	_ =	sdelay $0x3  }
.LBB2_9:
0x3d: {  	_ =	sfence.sel $0x180000  }
0x3e: {  	[bflag:$0x0] =	sbarrier.arrive $0xFFFF  }
0x3f: {  	p0 =	sne.s32 s1, $0x0;
	_ =	strace $0x90000047  }
0x40: {  	s0 =	sadd.s32 @!p0 $0x100000, s0;
	[bflag:$0x2] =	sbarrier.arrive $0xFFFF  }
0x41: {  	[sflag:s0] =	ssyncadd.tile.s32 @!p0 $0x1;
	_ =	shalt  }
.Lfunc_end2:
_tile_overlayer_lowered:
.L_overlay_start_2:
0x42: {  	(tag) =	ssettag $0x2  }
0x43: {  	s0 =	rddreg [dreg:$0x0];
	s2 =	stileid.u32  }
0x44: {  	s1 =	rddreg [dreg:$0x1];
	p0 =	sne.s32 s2, $0x0  }
0x45: {  	s3 =	rddreg [dreg:$0x2];
	[bflag:$0x3] =	sbarrier.arrive $0xFFFF;
	s2 =	simm.s32 @!p0 $0x1C02  }
0x46: {  	[timem:s3], [sflag:s2] =	dma.local @!p0 [hbm:s0], s1  }
0x47: {  	s0 =	simm.s32 @!p0 $0x2  }
0x48: {  	_ =	swait.ge @!p0 [sflag:s0], s1  }
0x49: {  	s1 =	ssub.s32 @!p0 $0x0, s1;
	[sflag:s0] =	ssyncset.done @!p0 $0x0  }
0x4a: {  	[sflag:s0] =	ssyncadd.s32 @!p0 s1  }
0x4b: {  	[bflag:$0x3] =	sbarrier.arrive $0xFFFF  }
0x4c: {  	_ =	shalt  }

</sc_bundles>
